<compile_context>
chip_gen: v7x
topology: tpu7x:2x2x1
jax: 0.10.2.dev20260603
libtpu: 0.0.44.dev20260713+nightly
codegen_flags: <defaults>
</compile_context>

<pallas_src>
import functools

import numpy as np
import jax
import jax.numpy as jnp
from jax import lax
from jax.experimental import pallas as pl
from jax.experimental.pallas import tpu as pltpu
from jax.experimental.pallas import tpu_sc as plsc

EMBED = 128
WINDOW = 2048
BATCH = 4
TOTAL = BATCH * WINDOW
SCALE = float(np.sqrt(np.float32(EMBED)))

NC = 2
NS = 16
NW = NC * NS
BPW = TOTAL // NW
LANES = 16
CHUNKS = (16, 32, 48, 80, 80)
NCHUNK = len(CHUNKS)
OFFS = (0, 16, 48, 96, 176)


def _pos_encoding() -> np.ndarray:
    half = EMBED // 2
    positions = np.arange(WINDOW, dtype=np.float32)[:, None]
    depths = np.arange(half, dtype=np.float32)[None, :] / np.float32(half)
    angle_rates = 1.0 / (10000.0 ** depths)
    angle_rads = positions * angle_rates
    pos = np.concatenate([np.sin(angle_rads), np.cos(angle_rads)], axis=-1)
    return pos.astype(np.float32).reshape(WINDOW, EMBED)


_POS = _pos_encoding()

_mesh = plsc.VectorSubcoreMesh(core_axis_name="c", subcore_axis_name="s")


@functools.partial(
    pl.kernel,
    mesh=_mesh,
    compiler_params=pltpu.CompilerParams(use_tc_tiling_on_sc=True),
    out_type=jax.ShapeDtypeStruct((TOTAL, EMBED), jnp.float32),
    scratch_types=[
        pltpu.VMEM((BPW,), jnp.int32),
        pltpu.VMEM((BPW, EMBED), jnp.float32),
        pltpu.VMEM((BPW, EMBED), jnp.float32),
    ]
    + [pltpu.SemaphoreType.DMA] * NCHUNK
    + [pltpu.SemaphoreType.DMA] * NCHUNK
    + [pltpu.SemaphoreType.DMA] * NCHUNK,
)
def _emb_kernel(x_hbm, table_hbm, pos_hbm, out_hbm, idx_v, rows_v, pos_v,
                *sems):
    gsems = sems[:NCHUNK]
    wsems = sems[NCHUNK:2 * NCHUNK]
    psems = sems[2 * NCHUNK:]
    wid = lax.axis_index("s") * NC + lax.axis_index("c")
    base = wid * BPW
    b = base // WINDOW
    l0 = lax.rem(base, WINDOW)
    pcps = [
        pltpu.async_copy(
            pos_hbm.at[pl.ds(l0 + OFFS[c], CHUNKS[c])],
            pos_v.at[pl.ds(OFFS[c], CHUNKS[c])],
            psems[c])
        for c in range(NCHUNK)
    ]
    pltpu.sync_copy(x_hbm.at[b, pl.ds(l0, BPW)], idx_v)
    gcps = [
        pltpu.async_copy(
            table_hbm.at[idx_v.at[pl.ds(OFFS[c], CHUNKS[c])]],
            rows_v.at[pl.ds(OFFS[c], CHUNKS[c])],
            gsems[c])
        for c in range(NCHUNK)
    ]

    wcps = []
    for c in range(NCHUNK):
        gcps[c].wait()
        pcps[c].wait()

        def row_step(j, carry, _c=c):
            r = OFFS[_c] + j
            for k in range(EMBED // LANES):
                sl = pl.ds(k * LANES, LANES)
                rows_v[r, sl] = rows_v[r, sl] * SCALE + pos_v[r, sl]
            return carry

        lax.fori_loop(0, CHUNKS[c], row_step, 0)
        wcps.append(pltpu.async_copy(
            rows_v.at[pl.ds(OFFS[c], CHUNKS[c])],
            out_hbm.at[pl.ds(base + OFFS[c], CHUNKS[c])],
            wsems[c]))
    for w in wcps:
        w.wait()


def kernel(x, table):
    pos = jnp.asarray(_POS)
    out = _emb_kernel(x.astype(jnp.int32), table, pos)
    return out.reshape(BATCH, WINDOW, EMBED)

# --- scband reference (transcript-rebuilt; emitter-appended) ---
"""Pipeline reference for scband-positional-encoding-10402410791489 (READ-ONLY COPY).

The authoritative reference and input builder live on the scoring server;
editing this copy changes nothing except your own understanding.
"""

import jax, jax.numpy as jnp
import numpy as np

VOCAB = 1000000
EMBED = 128
WINDOW = 2048
BATCH = 4


def positional_encoding(length, depth):
    # standard transformer sin/cos encoding producing [length, depth]
    half = depth // 2
    positions = jnp.arange(length, dtype=jnp.float32)[:, None]
    depths = jnp.arange(half, dtype=jnp.float32)[None, :] / jnp.float32(half)
    angle_rates = 1.0 / (10000.0 ** depths)
    angle_rads = positions * angle_rates
    return jnp.concatenate([jnp.sin(angle_rads), jnp.cos(angle_rads)], axis=-1)


def setup_inputs(seed: int = 0) -> dict:
    key = jax.random.key(seed)
    k1, k2 = jax.random.split(key)
    x = jax.random.randint(k1, (BATCH, WINDOW), 0, VOCAB)
    # keras Embedding default initializer is uniform(-0.05, 0.05)
    table = jax.random.uniform(k2, (VOCAB, EMBED), dtype=jnp.float32, minval=-0.05, maxval=0.05)
    return {"x": x, "table": table}


def reference(x, table):
    emb = jnp.take(table, x, axis=0)                      # [B, L, E] gather
    emb = emb * jnp.sqrt(jnp.float32(EMBED))
    pos = positional_encoding(WINDOW, EMBED)              # [L, E]
    out = emb + pos                                       # broadcast over batch
    return out

if __name__ == "__main__":
    import jax
    _d = setup_inputs()
    print(jax.jit(kernel)(*tuple(_d.values())))

</pallas_src>

<mosaic_0001>
#map = affine_map<(d0, d1) -> (0, 0)>
module attributes {stable_mosaic.version = 14 : i64} {
  func.func @_emb_kernel(%arg0: i32, %arg1: i32, %arg2: memref<4x2048xi32, #tpu.memory_space<hbm>>, %arg3: memref<1000000x128xf32, #tpu.memory_space<hbm>>, %arg4: memref<2048x128xf32, #tpu.memory_space<hbm>>, %arg5: memref<8192x128xf32, #tpu.memory_space<hbm>>, %arg6: memref<256xi32, #tpu.memory_space<vmem>>, %arg7: memref<256x128xf32, #tpu.memory_space<vmem>>, %arg8: memref<256x128xf32, #tpu.memory_space<vmem>>, %arg9: memref<!tpu.dma_semaphore, #tpu.memory_space<semaphore_mem>>, %arg10: memref<!tpu.dma_semaphore, #tpu.memory_space<semaphore_mem>>, %arg11: memref<!tpu.dma_semaphore, #tpu.memory_space<semaphore_mem>>, %arg12: memref<!tpu.dma_semaphore, #tpu.memory_space<semaphore_mem>>, %arg13: memref<!tpu.dma_semaphore, #tpu.memory_space<semaphore_mem>>, %arg14: memref<!tpu.dma_semaphore, #tpu.memory_space<semaphore_mem>>, %arg15: memref<!tpu.dma_semaphore, #tpu.memory_space<semaphore_mem>>, %arg16: memref<!tpu.dma_semaphore, #tpu.memory_space<semaphore_mem>>, %arg17: memref<!tpu.dma_semaphore, #tpu.memory_space<semaphore_mem>>, %arg18: memref<!tpu.dma_semaphore, #tpu.memory_space<semaphore_mem>>, %arg19: memref<!tpu.dma_semaphore, #tpu.memory_space<semaphore_mem>>, %arg20: memref<!tpu.dma_semaphore, #tpu.memory_space<semaphore_mem>>, %arg21: memref<!tpu.dma_semaphore, #tpu.memory_space<semaphore_mem>>, %arg22: memref<!tpu.dma_semaphore, #tpu.memory_space<semaphore_mem>>, %arg23: memref<!tpu.dma_semaphore, #tpu.memory_space<semaphore_mem>>) attributes {dimension_semantics = [#tpu.dimension_semantics<core_parallel>, #tpu.dimension_semantics<subcore_parallel>], iteration_bounds = array<i64: 2, 16>, scalar_prefetch = 0 : i64, scratch_operands = 18 : i64, tpu.core_type = #tpu.core_type<sc_vector_subcore>, window_params = [{transform_indices = #map}, {transform_indices = #map}, {transform_indices = #map}, {transform_indices = #map}]} {
    %mul3A = arith.constant 2 : i32
    %mul3A_0 = arith.muli %arg1, %mul3A : i32
    %add3A = arith.addi %mul3A_0, %arg0 : i32
    %mul3A_1 = arith.constant 256 : i32
    %mul3A_2 = arith.muli %add3A, %mul3A_1 : i32
    %jit3A = arith.constant 2048 : i32
    %div3A = arith.divsi %mul3A_2, %jit3A : i32
    %sign3A = arith.constant 0 : i32
    %sign3A_3 = arith.cmpi sgt, %mul3A_2, %sign3A : i32
    %sign3A_4 = arith.extui %sign3A_3 : i1 to i32
    %sign3A_5 = arith.constant 0 : i32
    %sign3A_6 = arith.cmpi slt, %mul3A_2, %sign3A_5 : i32
    %sign3A_7 = arith.extui %sign3A_6 : i1 to i32
    %sign3A_8 = arith.subi %sign3A_4, %sign3A_7 : i32
    %sign3A_9 = arith.constant 0 : i32
    %sign3A_10 = arith.cmpi sgt, %jit3A, %sign3A_9 : i32
    %sign3A_11 = arith.extui %sign3A_10 : i1 to i32
    %sign3A_12 = arith.constant 0 : i32
    %sign3A_13 = arith.cmpi slt, %jit3A, %sign3A_12 : i32
    %sign3A_14 = arith.extui %sign3A_13 : i1 to i32
    %sign3A_15 = arith.subi %sign3A_11, %sign3A_14 : i32
    %ne3A = arith.cmpi ne, %sign3A_8, %sign3A_15 : i32
    %rem3A = arith.remsi %mul3A_2, %jit3A : i32
    %ne3A_16 = arith.constant 0 : i32
    %ne3A_17 = arith.cmpi ne, %rem3A, %ne3A_16 : i32
    %and3A = arith.andi %ne3A, %ne3A_17 : i1
    %sub3A = arith.constant 1 : i32
    %sub3A_18 = arith.subi %div3A, %sub3A : i32
    %select_n3A = arith.select %and3A, %sub3A_18, %div3A : i32
    %rem3A_19 = arith.constant 2048 : i32
    %rem3A_20 = arith.remsi %mul3A_2, %rem3A_19 : i32
    %add3A_21 = arith.constant 0 : i32
    %add3A_22 = arith.addi %rem3A_20, %add3A_21 : i32
    %dma_start3A = arith.constant 0 : i32
    %dma_start3A_23 = arith.constant 0 : i32
    %dma_start3A_24 = tpu.memref_slice %arg8[%dma_start3A, %dma_start3A_23] : memref<256x128xf32, #tpu.memory_space<vmem>> -> memref<16x128xf32, #tpu.memory_space<vmem>>
    %dma_start3A_25 = arith.constant 0 : i32
    %dma_start3A_26 = tpu.memref_slice %arg4[%add3A_22, %dma_start3A_25] : memref<2048x128xf32, #tpu.memory_space<hbm>> -> memref<16x128xf32, #tpu.memory_space<hbm>>
    %dma_start3A_27 = arith.constant 0 : i32
    %dma_start3A_28 = arith.constant 0 : i32
    %dma_start3A_29 = tpu.memref_slice %arg8[%dma_start3A_27, %dma_start3A_28] : memref<256x128xf32, #tpu.memory_space<vmem>> -> memref<16x128xf32, #tpu.memory_space<vmem>>
    %dma_start3A_30 = arith.constant 0 : i32
    %dma_start3A_31 = tpu.memref_slice %arg4[%add3A_22, %dma_start3A_30] : memref<2048x128xf32, #tpu.memory_space<hbm>> -> memref<16x128xf32, #tpu.memory_space<hbm>>
    tpu.enqueue_dma source(%dma_start3A_31 : memref<16x128xf32, #tpu.memory_space<hbm>>) target(%dma_start3A_29 : memref<16x128xf32, #tpu.memory_space<vmem>>) target_semaphore(%arg19 : memref<!tpu.dma_semaphore, #tpu.memory_space<semaphore_mem>>)
    %add3A_32 = arith.constant 16 : i32
    %add3A_33 = arith.addi %rem3A_20, %add3A_32 : i32
    %dma_start3A_34 = arith.constant 16 : i32
    %dma_start3A_35 = arith.constant 0 : i32
    %dma_start3A_36 = tpu.memref_slice %arg8[%dma_start3A_34, %dma_start3A_35] : memref<256x128xf32, #tpu.memory_space<vmem>> -> memref<32x128xf32, #tpu.memory_space<vmem>>
    %dma_start3A_37 = arith.constant 0 : i32
    %dma_start3A_38 = tpu.memref_slice %arg4[%add3A_33, %dma_start3A_37] : memref<2048x128xf32, #tpu.memory_space<hbm>> -> memref<32x128xf32, #tpu.memory_space<hbm>>
    %dma_start3A_39 = arith.constant 16 : i32
    %dma_start3A_40 = arith.constant 0 : i32
    %dma_start3A_41 = tpu.memref_slice %arg8[%dma_start3A_39, %dma_start3A_40] : memref<256x128xf32, #tpu.memory_space<vmem>> -> memref<32x128xf32, #tpu.memory_space<vmem>>
    %dma_start3A_42 = arith.constant 0 : i32
    %dma_start3A_43 = tpu.memref_slice %arg4[%add3A_33, %dma_start3A_42] : memref<2048x128xf32, #tpu.memory_space<hbm>> -> memref<32x128xf32, #tpu.memory_space<hbm>>
    tpu.enqueue_dma source(%dma_start3A_43 : memref<32x128xf32, #tpu.memory_space<hbm>>) target(%dma_start3A_41 : memref<32x128xf32, #tpu.memory_space<vmem>>) target_semaphore(%arg20 : memref<!tpu.dma_semaphore, #tpu.memory_space<semaphore_mem>>)
    %add3A_44 = arith.constant 48 : i32
    %add3A_45 = arith.addi %rem3A_20, %add3A_44 : i32
    %dma_start3A_46 = arith.constant 48 : i32
    %dma_start3A_47 = arith.constant 0 : i32
    %dma_start3A_48 = tpu.memref_slice %arg8[%dma_start3A_46, %dma_start3A_47] : memref<256x128xf32, #tpu.memory_space<vmem>> -> memref<48x128xf32, #tpu.memory_space<vmem>>
    %dma_start3A_49 = arith.constant 0 : i32
    %dma_start3A_50 = tpu.memref_slice %arg4[%add3A_45, %dma_start3A_49] : memref<2048x128xf32, #tpu.memory_space<hbm>> -> memref<48x128xf32, #tpu.memory_space<hbm>>
    %dma_start3A_51 = arith.constant 48 : i32
    %dma_start3A_52 = arith.constant 0 : i32
    %dma_start3A_53 = tpu.memref_slice %arg8[%dma_start3A_51, %dma_start3A_52] : memref<256x128xf32, #tpu.memory_space<vmem>> -> memref<48x128xf32, #tpu.memory_space<vmem>>
    %dma_start3A_54 = arith.constant 0 : i32
    %dma_start3A_55 = tpu.memref_slice %arg4[%add3A_45, %dma_start3A_54] : memref<2048x128xf32, #tpu.memory_space<hbm>> -> memref<48x128xf32, #tpu.memory_space<hbm>>
    tpu.enqueue_dma source(%dma_start3A_55 : memref<48x128xf32, #tpu.memory_space<hbm>>) target(%dma_start3A_53 : memref<48x128xf32, #tpu.memory_space<vmem>>) target_semaphore(%arg21 : memref<!tpu.dma_semaphore, #tpu.memory_space<semaphore_mem>>)
    %add3A_56 = arith.constant 96 : i32
    %add3A_57 = arith.addi %rem3A_20, %add3A_56 : i32
    %dma_start3A_58 = arith.constant 96 : i32
    %dma_start3A_59 = arith.constant 0 : i32
    %dma_start3A_60 = tpu.memref_slice %arg8[%dma_start3A_58, %dma_start3A_59] : memref<256x128xf32, #tpu.memory_space<vmem>> -> memref<80x128xf32, #tpu.memory_space<vmem>>
    %dma_start3A_61 = arith.constant 0 : i32
    %dma_start3A_62 = tpu.memref_slice %arg4[%add3A_57, %dma_start3A_61] : memref<2048x128xf32, #tpu.memory_space<hbm>> -> memref<80x128xf32, #tpu.memory_space<hbm>>
    %dma_start3A_63 = arith.constant 96 : i32
    %dma_start3A_64 = arith.constant 0 : i32
    %dma_start3A_65 = tpu.memref_slice %arg8[%dma_start3A_63, %dma_start3A_64] : memref<256x128xf32, #tpu.memory_space<vmem>> -> memref<80x128xf32, #tpu.memory_space<vmem>>
    %dma_start3A_66 = arith.constant 0 : i32
    %dma_start3A_67 = tpu.memref_slice %arg4[%add3A_57, %dma_start3A_66] : memref<2048x128xf32, #tpu.memory_space<hbm>> -> memref<80x128xf32, #tpu.memory_space<hbm>>
    tpu.enqueue_dma source(%dma_start3A_67 : memref<80x128xf32, #tpu.memory_space<hbm>>) target(%dma_start3A_65 : memref<80x128xf32, #tpu.memory_space<vmem>>) target_semaphore(%arg22 : memref<!tpu.dma_semaphore, #tpu.memory_space<semaphore_mem>>)
    %add3A_68 = arith.constant 176 : i32
    %add3A_69 = arith.addi %rem3A_20, %add3A_68 : i32
    %dma_start3A_70 = arith.constant 176 : i32
    %dma_start3A_71 = arith.constant 0 : i32
    %dma_start3A_72 = tpu.memref_slice %arg8[%dma_start3A_70, %dma_start3A_71] : memref<256x128xf32, #tpu.memory_space<vmem>> -> memref<80x128xf32, #tpu.memory_space<vmem>>
    %dma_start3A_73 = arith.constant 0 : i32
    %dma_start3A_74 = tpu.memref_slice %arg4[%add3A_69, %dma_start3A_73] : memref<2048x128xf32, #tpu.memory_space<hbm>> -> memref<80x128xf32, #tpu.memory_space<hbm>>
    %dma_start3A_75 = arith.constant 176 : i32
    %dma_start3A_76 = arith.constant 0 : i32
    %dma_start3A_77 = tpu.memref_slice %arg8[%dma_start3A_75, %dma_start3A_76] : memref<256x128xf32, #tpu.memory_space<vmem>> -> memref<80x128xf32, #tpu.memory_space<vmem>>
    %dma_start3A_78 = arith.constant 0 : i32
    %dma_start3A_79 = tpu.memref_slice %arg4[%add3A_69, %dma_start3A_78] : memref<2048x128xf32, #tpu.memory_space<hbm>> -> memref<80x128xf32, #tpu.memory_space<hbm>>
    tpu.enqueue_dma source(%dma_start3A_79 : memref<80x128xf32, #tpu.memory_space<hbm>>) target(%dma_start3A_77 : memref<80x128xf32, #tpu.memory_space<vmem>>) target_semaphore(%arg23 : memref<!tpu.dma_semaphore, #tpu.memory_space<semaphore_mem>>)
    "tpu.region"() ({
      %run_scoped3A = tpu.sem_alloc : memref<!tpu.dma_semaphore, #tpu.memory_space<semaphore_mem>>
      %dma_start3A_348 = tpu.memref_slice %arg2[%select_n3A, %rem3A_20] : memref<4x2048xi32, #tpu.memory_space<hbm>> -> memref<1x256xi32, #tpu.memory_space<hbm>>
      %dma_start3A_349 = tpu.memref_squeeze %dma_start3A_348 : memref<1x256xi32, #tpu.memory_space<hbm>> -> memref<256xi32, #tpu.memory_space<hbm>>
      %dma_start3A_350 = tpu.memref_slice %arg2[%select_n3A, %rem3A_20] : memref<4x2048xi32, #tpu.memory_space<hbm>> -> memref<1x256xi32, #tpu.memory_space<hbm>>
      %dma_start3A_351 = tpu.memref_squeeze %dma_start3A_350 : memref<1x256xi32, #tpu.memory_space<hbm>> -> memref<256xi32, #tpu.memory_space<hbm>>
      tpu.enqueue_dma source(%dma_start3A_351 : memref<256xi32, #tpu.memory_space<hbm>>) target(%arg6 : memref<256xi32, #tpu.memory_space<vmem>>) target_semaphore(%run_scoped3A : memref<!tpu.dma_semaphore, #tpu.memory_space<semaphore_mem>>)
      %dma_wait3A_352 = tpu.memref_slice %arg2[%select_n3A, %rem3A_20] : memref<4x2048xi32, #tpu.memory_space<hbm>> -> memref<1x256xi32, #tpu.memory_space<hbm>>
      %dma_wait3A_353 = tpu.memref_squeeze %dma_wait3A_352 : memref<1x256xi32, #tpu.memory_space<hbm>> -> memref<256xi32, #tpu.memory_space<hbm>>
      %dma_wait3A_354 = tpu.memref_slice %arg2[%select_n3A, %rem3A_20] : memref<4x2048xi32, #tpu.memory_space<hbm>> -> memref<1x256xi32, #tpu.memory_space<hbm>>
      %dma_wait3A_355 = tpu.memref_squeeze %dma_wait3A_354 : memref<1x256xi32, #tpu.memory_space<hbm>> -> memref<256xi32, #tpu.memory_space<hbm>>
      tpu.wait_dma2 semaphore(%run_scoped3A : memref<!tpu.dma_semaphore, #tpu.memory_space<semaphore_mem>>) src(%dma_wait3A_355 : memref<256xi32, #tpu.memory_space<hbm>>) dst(%arg6 : memref<256xi32, #tpu.memory_space<vmem>>)
      tpu.yield
    }) : () -> ()
    %dma_start3A_80 = arith.constant 0 : i32
    %dma_start3A_81 = arith.constant 0 : i32
    %dma_start3A_82 = tpu.memref_slice %arg7[%dma_start3A_80, %dma_start3A_81] : memref<256x128xf32, #tpu.memory_space<vmem>> -> memref<16x128xf32, #tpu.memory_space<vmem>>
    %dma_start3A_83 = arith.constant 0 : i32
    %dma_start3A_84 = tpu.memref_slice %arg6[%dma_start3A_83] : memref<256xi32, #tpu.memory_space<vmem>> -> memref<16xi32, #tpu.memory_space<vmem>>
    %dma_start3A_85 = arith.constant 0 : i32
    %dma_start3A_86 = arith.constant 0 : i32
    %dma_start3A_87 = tpu.memref_slice %arg3[%dma_start3A_85, %dma_start3A_86] : memref<1000000x128xf32, #tpu.memory_space<hbm>> -> memref<1000000x128xf32, #tpu.memory_space<hbm>>
    tpu.enqueue_indirect_dma source(%dma_start3A_87 : memref<1000000x128xf32, #tpu.memory_space<hbm>>) target(%dma_start3A_82 : memref<16x128xf32, #tpu.memory_space<vmem>>) offsets(%dma_start3A_84 : memref<16xi32, #tpu.memory_space<vmem>>) semaphore(%arg9 : memref<!tpu.dma_semaphore, #tpu.memory_space<semaphore_mem>>)
    %dma_start3A_88 = arith.constant 16 : i32
    %dma_start3A_89 = arith.constant 0 : i32
    %dma_start3A_90 = tpu.memref_slice %arg7[%dma_start3A_88, %dma_start3A_89] : memref<256x128xf32, #tpu.memory_space<vmem>> -> memref<32x128xf32, #tpu.memory_space<vmem>>
    %dma_start3A_91 = arith.constant 16 : i32
    %dma_start3A_92 = tpu.memref_slice %arg6[%dma_start3A_91] : memref<256xi32, #tpu.memory_space<vmem>> -> memref<32xi32, #tpu.memory_space<vmem>>
    %dma_start3A_93 = arith.constant 0 : i32
    %dma_start3A_94 = arith.constant 0 : i32
    %dma_start3A_95 = tpu.memref_slice %arg3[%dma_start3A_93, %dma_start3A_94] : memref<1000000x128xf32, #tpu.memory_space<hbm>> -> memref<1000000x128xf32, #tpu.memory_space<hbm>>
    tpu.enqueue_indirect_dma source(%dma_start3A_95 : memref<1000000x128xf32, #tpu.memory_space<hbm>>) target(%dma_start3A_90 : memref<32x128xf32, #tpu.memory_space<vmem>>) offsets(%dma_start3A_92 : memref<32xi32, #tpu.memory_space<vmem>>) semaphore(%arg10 : memref<!tpu.dma_semaphore, #tpu.memory_space<semaphore_mem>>)
    %dma_start3A_96 = arith.constant 48 : i32
    %dma_start3A_97 = arith.constant 0 : i32
    %dma_start3A_98 = tpu.memref_slice %arg7[%dma_start3A_96, %dma_start3A_97] : memref<256x128xf32, #tpu.memory_space<vmem>> -> memref<48x128xf32, #tpu.memory_space<vmem>>
    %dma_start3A_99 = arith.constant 48 : i32
    %dma_start3A_100 = tpu.memref_slice %arg6[%dma_start3A_99] : memref<256xi32, #tpu.memory_space<vmem>> -> memref<48xi32, #tpu.memory_space<vmem>>
    %dma_start3A_101 = arith.constant 0 : i32
    %dma_start3A_102 = arith.constant 0 : i32
    %dma_start3A_103 = tpu.memref_slice %arg3[%dma_start3A_101, %dma_start3A_102] : memref<1000000x128xf32, #tpu.memory_space<hbm>> -> memref<1000000x128xf32, #tpu.memory_space<hbm>>
    tpu.enqueue_indirect_dma source(%dma_start3A_103 : memref<1000000x128xf32, #tpu.memory_space<hbm>>) target(%dma_start3A_98 : memref<48x128xf32, #tpu.memory_space<vmem>>) offsets(%dma_start3A_100 : memref<48xi32, #tpu.memory_space<vmem>>) semaphore(%arg11 : memref<!tpu.dma_semaphore, #tpu.memory_space<semaphore_mem>>)
    %dma_start3A_104 = arith.constant 96 : i32
    %dma_start3A_105 = arith.constant 0 : i32
    %dma_start3A_106 = tpu.memref_slice %arg7[%dma_start3A_104, %dma_start3A_105] : memref<256x128xf32, #tpu.memory_space<vmem>> -> memref<80x128xf32, #tpu.memory_space<vmem>>
    %dma_start3A_107 = arith.constant 96 : i32
    %dma_start3A_108 = tpu.memref_slice %arg6[%dma_start3A_107] : memref<256xi32, #tpu.memory_space<vmem>> -> memref<80xi32, #tpu.memory_space<vmem>>
    %dma_start3A_109 = arith.constant 0 : i32
    %dma_start3A_110 = arith.constant 0 : i32
    %dma_start3A_111 = tpu.memref_slice %arg3[%dma_start3A_109, %dma_start3A_110] : memref<1000000x128xf32, #tpu.memory_space<hbm>> -> memref<1000000x128xf32, #tpu.memory_space<hbm>>
    tpu.enqueue_indirect_dma source(%dma_start3A_111 : memref<1000000x128xf32, #tpu.memory_space<hbm>>) target(%dma_start3A_106 : memref<80x128xf32, #tpu.memory_space<vmem>>) offsets(%dma_start3A_108 : memref<80xi32, #tpu.memory_space<vmem>>) semaphore(%arg12 : memref<!tpu.dma_semaphore, #tpu.memory_space<semaphore_mem>>)
    %dma_start3A_112 = arith.constant 176 : i32
    %dma_start3A_113 = arith.constant 0 : i32
    %dma_start3A_114 = tpu.memref_slice %arg7[%dma_start3A_112, %dma_start3A_113] : memref<256x128xf32, #tpu.memory_space<vmem>> -> memref<80x128xf32, #tpu.memory_space<vmem>>
    %dma_start3A_115 = arith.constant 176 : i32
    %dma_start3A_116 = tpu.memref_slice %arg6[%dma_start3A_115] : memref<256xi32, #tpu.memory_space<vmem>> -> memref<80xi32, #tpu.memory_space<vmem>>
    %dma_start3A_117 = arith.constant 0 : i32
    %dma_start3A_118 = arith.constant 0 : i32
    %dma_start3A_119 = tpu.memref_slice %arg3[%dma_start3A_117, %dma_start3A_118] : memref<1000000x128xf32, #tpu.memory_space<hbm>> -> memref<1000000x128xf32, #tpu.memory_space<hbm>>
    tpu.enqueue_indirect_dma source(%dma_start3A_119 : memref<1000000x128xf32, #tpu.memory_space<hbm>>) target(%dma_start3A_114 : memref<80x128xf32, #tpu.memory_space<vmem>>) offsets(%dma_start3A_116 : memref<80xi32, #tpu.memory_space<vmem>>) semaphore(%arg13 : memref<!tpu.dma_semaphore, #tpu.memory_space<semaphore_mem>>)
    %dma_wait3A = arith.constant 0 : i32
    %dma_wait3A_120 = arith.constant 0 : i32
    %dma_wait3A_121 = tpu.memref_slice %arg7[%dma_wait3A, %dma_wait3A_120] : memref<256x128xf32, #tpu.memory_space<vmem>> -> memref<16x128xf32, #tpu.memory_space<vmem>>
    %dma_wait3A_122 = arith.constant 0 : i32
    %dma_wait3A_123 = tpu.memref_slice %arg6[%dma_wait3A_122] : memref<256xi32, #tpu.memory_space<vmem>> -> memref<16xi32, #tpu.memory_space<vmem>>
    %dma_wait3A_124 = arith.constant 0 : i32
    %dma_wait3A_125 = arith.constant 0 : i32
    %dma_wait3A_126 = tpu.memref_slice %arg3[%dma_wait3A_124, %dma_wait3A_125] : memref<1000000x128xf32, #tpu.memory_space<hbm>> -> memref<1000000x128xf32, #tpu.memory_space<hbm>>
    tpu.wait_indirect_dma semaphore(%arg9 : memref<!tpu.dma_semaphore, #tpu.memory_space<semaphore_mem>>) src(%dma_wait3A_126 : memref<1000000x128xf32, #tpu.memory_space<hbm>>) dst(%dma_wait3A_121 : memref<16x128xf32, #tpu.memory_space<vmem>>)
    %dma_wait3A_127 = arith.constant 0 : i32
    %dma_wait3A_128 = arith.constant 0 : i32
    %dma_wait3A_129 = tpu.memref_slice %arg8[%dma_wait3A_127, %dma_wait3A_128] : memref<256x128xf32, #tpu.memory_space<vmem>> -> memref<16x128xf32, #tpu.memory_space<vmem>>
    %dma_wait3A_130 = arith.constant 0 : i32
    %dma_wait3A_131 = tpu.memref_slice %arg4[%add3A_22, %dma_wait3A_130] : memref<2048x128xf32, #tpu.memory_space<hbm>> -> memref<16x128xf32, #tpu.memory_space<hbm>>
    %dma_wait3A_132 = arith.constant 0 : i32
    %dma_wait3A_133 = arith.constant 0 : i32
    %dma_wait3A_134 = tpu.memref_slice %arg8[%dma_wait3A_132, %dma_wait3A_133] : memref<256x128xf32, #tpu.memory_space<vmem>> -> memref<16x128xf32, #tpu.memory_space<vmem>>
    %dma_wait3A_135 = arith.constant 0 : i32
    %dma_wait3A_136 = tpu.memref_slice %arg4[%add3A_22, %dma_wait3A_135] : memref<2048x128xf32, #tpu.memory_space<hbm>> -> memref<16x128xf32, #tpu.memory_space<hbm>>
    tpu.wait_dma2 semaphore(%arg19 : memref<!tpu.dma_semaphore, #tpu.memory_space<semaphore_mem>>) src(%dma_wait3A_136 : memref<16x128xf32, #tpu.memory_space<hbm>>) dst(%dma_wait3A_134 : memref<16x128xf32, #tpu.memory_space<vmem>>)
    %scan3A = arith.constant 0 : i32
    %scan3A_137 = arith.constant 0 : i32
    %scan3A_138 = arith.constant 16 : i32
    %scan3A_139 = arith.addi %scan3A_137, %scan3A_138 : i32
    %scan3A_140 = arith.constant 1 : i32
    scf.for %scan3A_348 = %scan3A_137 to %scan3A_139 step %scan3A_140  : i32 {
      %add3A_349 = arith.constant 0 : i32
      %add3A_350 = arith.addi %add3A_349, %scan3A_348 : i32
      %get3A = arith.index_cast %add3A_350 : i32 to index
      %get3A_351 = arith.constant 0 : index
      %get3A_352 = tpu.vector_load %arg7[%get3A, %get3A_351] {strides = array<i32>} : memref<256x128xf32, #tpu.memory_space<vmem>>, vector<1x16xf32>,
      %get3A_353 = vector.shape_cast %get3A_352 : vector<1x16xf32> to vector<16xf32>
      %mul3A_354 = arith.constant 11.3137083 : f32
      %mul3A_355 = vector.broadcast %mul3A_354 : f32 to vector<16xf32>
      %mul3A_356 = arith.mulf %get3A_353, %mul3A_355 : vector<16xf32>
      %get3A_357 = arith.index_cast %add3A_350 : i32 to index
      %get3A_358 = arith.constant 0 : index
      %get3A_359 = tpu.vector_load %arg8[%get3A_357, %get3A_358] {strides = array<i32>} : memref<256x128xf32, #tpu.memory_space<vmem>>, vector<1x16xf32>,
      %get3A_360 = vector.shape_cast %get3A_359 : vector<1x16xf32> to vector<16xf32>
      %add3A_361 = arith.addf %mul3A_356, %get3A_360 : vector<16xf32>
      %swap3A = arith.index_cast %add3A_350 : i32 to index
      %swap3A_362 = arith.constant 0 : index
      %swap3A_363 = tpu.vector_load %arg7[%swap3A, %swap3A_362] {strides = array<i32>} : memref<256x128xf32, #tpu.memory_space<vmem>>, vector<1x16xf32>,
      %swap3A_364 = vector.shape_cast %swap3A_363 : vector<1x16xf32> to vector<16xf32>
      %swap3A_365 = vector.shape_cast %add3A_361 : vector<16xf32> to vector<1x16xf32>
      tpu.vector_store %arg7[%swap3A, %swap3A_362], %swap3A_365 {strides = array<i32>} : memref<256x128xf32, #tpu.memory_space<vmem>>, vector<1x16xf32>,
      %get3A_366 = arith.index_cast %add3A_350 : i32 to index
      %get3A_367 = arith.constant 16 : index
      %get3A_368 = tpu.vector_load %arg7[%get3A_366, %get3A_367] {strides = array<i32>} : memref<256x128xf32, #tpu.memory_space<vmem>>, vector<1x16xf32>,
      %get3A_369 = vector.shape_cast %get3A_368 : vector<1x16xf32> to vector<16xf32>
      %mul3A_370 = arith.constant 11.3137083 : f32
      %mul3A_371 = vector.broadcast %mul3A_370 : f32 to vector<16xf32>
      %mul3A_372 = arith.mulf %get3A_369, %mul3A_371 : vector<16xf32>
      %get3A_373 = arith.index_cast %add3A_350 : i32 to index
      %get3A_374 = arith.constant 16 : index
      %get3A_375 = tpu.vector_load %arg8[%get3A_373, %get3A_374] {strides = array<i32>} : memref<256x128xf32, #tpu.memory_space<vmem>>, vector<1x16xf32>,
      %get3A_376 = vector.shape_cast %get3A_375 : vector<1x16xf32> to vector<16xf32>
      %add3A_377 = arith.addf %mul3A_372, %get3A_376 : vector<16xf32>
      %swap3A_378 = arith.index_cast %add3A_350 : i32 to index
      %swap3A_379 = arith.constant 16 : index
      %swap3A_380 = tpu.vector_load %arg7[%swap3A_378, %swap3A_379] {strides = array<i32>} : memref<256x128xf32, #tpu.memory_space<vmem>>, vector<1x16xf32>,
      %swap3A_381 = vector.shape_cast %swap3A_380 : vector<1x16xf32> to vector<16xf32>
      %swap3A_382 = vector.shape_cast %add3A_377 : vector<16xf32> to vector<1x16xf32>
      tpu.vector_store %arg7[%swap3A_378, %swap3A_379], %swap3A_382 {strides = array<i32>} : memref<256x128xf32, #tpu.memory_space<vmem>>, vector<1x16xf32>,
      %get3A_383 = arith.index_cast %add3A_350 : i32 to index
      %get3A_384 = arith.constant 32 : index
      %get3A_385 = tpu.vector_load %arg7[%get3A_383, %get3A_384] {strides = array<i32>} : memref<256x128xf32, #tpu.memory_space<vmem>>, vector<1x16xf32>,
      %get3A_386 = vector.shape_cast %get3A_385 : vector<1x16xf32> to vector<16xf32>
      %mul3A_387 = arith.constant 11.3137083 : f32
      %mul3A_388 = vector.broadcast %mul3A_387 : f32 to vector<16xf32>
      %mul3A_389 = arith.mulf %get3A_386, %mul3A_388 : vector<16xf32>
      %get3A_390 = arith.index_cast %add3A_350 : i32 to index
      %get3A_391 = arith.constant 32 : index
      %get3A_392 = tpu.vector_load %arg8[%get3A_390, %get3A_391] {strides = array<i32>} : memref<256x128xf32, #tpu.memory_space<vmem>>, vector<1x16xf32>,
      %get3A_393 = vector.shape_cast %get3A_392 : vector<1x16xf32> to vector<16xf32>
      %add3A_394 = arith.addf %mul3A_389, %get3A_393 : vector<16xf32>
      %swap3A_395 = arith.index_cast %add3A_350 : i32 to index
      %swap3A_396 = arith.constant 32 : index
      %swap3A_397 = tpu.vector_load %arg7[%swap3A_395, %swap3A_396] {strides = array<i32>} : memref<256x128xf32, #tpu.memory_space<vmem>>, vector<1x16xf32>,
      %swap3A_398 = vector.shape_cast %swap3A_397 : vector<1x16xf32> to vector<16xf32>
      %swap3A_399 = vector.shape_cast %add3A_394 : vector<16xf32> to vector<1x16xf32>
      tpu.vector_store %arg7[%swap3A_395, %swap3A_396], %swap3A_399 {strides = array<i32>} : memref<256x128xf32, #tpu.memory_space<vmem>>, vector<1x16xf32>,
      %get3A_400 = arith.index_cast %add3A_350 : i32 to index
      %get3A_401 = arith.constant 48 : index
      %get3A_402 = tpu.vector_load %arg7[%get3A_400, %get3A_401] {strides = array<i32>} : memref<256x128xf32, #tpu.memory_space<vmem>>, vector<1x16xf32>,
      %get3A_403 = vector.shape_cast %get3A_402 : vector<1x16xf32> to vector<16xf32>
      %mul3A_404 = arith.constant 11.3137083 : f32
      %mul3A_405 = vector.broadcast %mul3A_404 : f32 to vector<16xf32>
      %mul3A_406 = arith.mulf %get3A_403, %mul3A_405 : vector<16xf32>
      %get3A_407 = arith.index_cast %add3A_350 : i32 to index
      %get3A_408 = arith.constant 48 : index
      %get3A_409 = tpu.vector_load %arg8[%get3A_407, %get3A_408] {strides = array<i32>} : memref<256x128xf32, #tpu.memory_space<vmem>>, vector<1x16xf32>,
      %get3A_410 = vector.shape_cast %get3A_409 : vector<1x16xf32> to vector<16xf32>
      %add3A_411 = arith.addf %mul3A_406, %get3A_410 : vector<16xf32>
      %swap3A_412 = arith.index_cast %add3A_350 : i32 to index
      %swap3A_413 = arith.constant 48 : index
      %swap3A_414 = tpu.vector_load %arg7[%swap3A_412, %swap3A_413] {strides = array<i32>} : memref<256x128xf32, #tpu.memory_space<vmem>>, vector<1x16xf32>,
      %swap3A_415 = vector.shape_cast %swap3A_414 : vector<1x16xf32> to vector<16xf32>
      %swap3A_416 = vector.shape_cast %add3A_411 : vector<16xf32> to vector<1x16xf32>
      tpu.vector_store %arg7[%swap3A_412, %swap3A_413], %swap3A_416 {strides = array<i32>} : memref<256x128xf32, #tpu.memory_space<vmem>>, vector<1x16xf32>,
      %get3A_417 = arith.index_cast %add3A_350 : i32 to index
      %get3A_418 = arith.constant 64 : index
      %get3A_419 = tpu.vector_load %arg7[%get3A_417, %get3A_418] {strides = array<i32>} : memref<256x128xf32, #tpu.memory_space<vmem>>, vector<1x16xf32>,
      %get3A_420 = vector.shape_cast %get3A_419 : vector<1x16xf32> to vector<16xf32>
      %mul3A_421 = arith.constant 11.3137083 : f32
      %mul3A_422 = vector.broadcast %mul3A_421 : f32 to vector<16xf32>
      %mul3A_423 = arith.mulf %get3A_420, %mul3A_422 : vector<16xf32>
      %get3A_424 = arith.index_cast %add3A_350 : i32 to index
      %get3A_425 = arith.constant 64 : index
      %get3A_426 = tpu.vector_load %arg8[%get3A_424, %get3A_425] {strides = array<i32>} : memref<256x128xf32, #tpu.memory_space<vmem>>, vector<1x16xf32>,
      %get3A_427 = vector.shape_cast %get3A_426 : vector<1x16xf32> to vector<16xf32>
      %add3A_428 = arith.addf %mul3A_423, %get3A_427 : vector<16xf32>
      %swap3A_429 = arith.index_cast %add3A_350 : i32 to index
      %swap3A_430 = arith.constant 64 : index
      %swap3A_431 = tpu.vector_load %arg7[%swap3A_429, %swap3A_430] {strides = array<i32>} : memref<256x128xf32, #tpu.memory_space<vmem>>, vector<1x16xf32>,
      %swap3A_432 = vector.shape_cast %swap3A_431 : vector<1x16xf32> to vector<16xf32>
      %swap3A_433 = vector.shape_cast %add3A_428 : vector<16xf32> to vector<1x16xf32>
      tpu.vector_store %arg7[%swap3A_429, %swap3A_430], %swap3A_433 {strides = array<i32>} : memref<256x128xf32, #tpu.memory_space<vmem>>, vector<1x16xf32>,
      %get3A_434 = arith.index_cast %add3A_350 : i32 to index
      %get3A_435 = arith.constant 80 : index
      %get3A_436 = tpu.vector_load %arg7[%get3A_434, %get3A_435] {strides = array<i32>} : memref<256x128xf32, #tpu.memory_space<vmem>>, vector<1x16xf32>,
      %get3A_437 = vector.shape_cast %get3A_436 : vector<1x16xf32> to vector<16xf32>
      %mul3A_438 = arith.constant 11.3137083 : f32
      %mul3A_439 = vector.broadcast %mul3A_438 : f32 to vector<16xf32>
      %mul3A_440 = arith.mulf %get3A_437, %mul3A_439 : vector<16xf32>
      %get3A_441 = arith.index_cast %add3A_350 : i32 to index
      %get3A_442 = arith.constant 80 : index
      %get3A_443 = tpu.vector_load %arg8[%get3A_441, %get3A_442] {strides = array<i32>} : memref<256x128xf32, #tpu.memory_space<vmem>>, vector<1x16xf32>,
      %get3A_444 = vector.shape_cast %get3A_443 : vector<1x16xf32> to vector<16xf32>
      %add3A_445 = arith.addf %mul3A_440, %get3A_444 : vector<16xf32>
      %swap3A_446 = arith.index_cast %add3A_350 : i32 to index
      %swap3A_447 = arith.constant 80 : index
      %swap3A_448 = tpu.vector_load %arg7[%swap3A_446, %swap3A_447] {strides = array<i32>} : memref<256x128xf32, #tpu.memory_space<vmem>>, vector<1x16xf32>,
      %swap3A_449 = vector.shape_cast %swap3A_448 : vector<1x16xf32> to vector<16xf32>
      %swap3A_450 = vector.shape_cast %add3A_445 : vector<16xf32> to vector<1x16xf32>
      tpu.vector_store %arg7[%swap3A_446, %swap3A_447], %swap3A_450 {strides = array<i32>} : memref<256x128xf32, #tpu.memory_space<vmem>>, vector<1x16xf32>,
      %get3A_451 = arith.index_cast %add3A_350 : i32 to index
      %get3A_452 = arith.constant 96 : index
      %get3A_453 = tpu.vector_load %arg7[%get3A_451, %get3A_452] {strides = array<i32>} : memref<256x128xf32, #tpu.memory_space<vmem>>, vector<1x16xf32>,
      %get3A_454 = vector.shape_cast %get3A_453 : vector<1x16xf32> to vector<16xf32>
      %mul3A_455 = arith.constant 11.3137083 : f32
      %mul3A_456 = vector.broadcast %mul3A_455 : f32 to vector<16xf32>
      %mul3A_457 = arith.mulf %get3A_454, %mul3A_456 : vector<16xf32>
      %get3A_458 = arith.index_cast %add3A_350 : i32 to index
      %get3A_459 = arith.constant 96 : index
      %get3A_460 = tpu.vector_load %arg8[%get3A_458, %get3A_459] {strides = array<i32>} : memref<256x128xf32, #tpu.memory_space<vmem>>, vector<1x16xf32>,
      %get3A_461 = vector.shape_cast %get3A_460 : vector<1x16xf32> to vector<16xf32>
      %add3A_462 = arith.addf %mul3A_457, %get3A_461 : vector<16xf32>
      %swap3A_463 = arith.index_cast %add3A_350 : i32 to index
      %swap3A_464 = arith.constant 96 : index
      %swap3A_465 = tpu.vector_load %arg7[%swap3A_463, %swap3A_464] {strides = array<i32>} : memref<256x128xf32, #tpu.memory_space<vmem>>, vector<1x16xf32>,
      %swap3A_466 = vector.shape_cast %swap3A_465 : vector<1x16xf32> to vector<16xf32>
      %swap3A_467 = vector.shape_cast %add3A_462 : vector<16xf32> to vector<1x16xf32>
      tpu.vector_store %arg7[%swap3A_463, %swap3A_464], %swap3A_467 {strides = array<i32>} : memref<256x128xf32, #tpu.memory_space<vmem>>, vector<1x16xf32>,
      %get3A_468 = arith.index_cast %add3A_350 : i32 to index
      %get3A_469 = arith.constant 112 : index
      %get3A_470 = tpu.vector_load %arg7[%get3A_468, %get3A_469] {strides = array<i32>} : memref<256x128xf32, #tpu.memory_space<vmem>>, vector<1x16xf32>,
      %get3A_471 = vector.shape_cast %get3A_470 : vector<1x16xf32> to vector<16xf32>
      %mul3A_472 = arith.constant 11.3137083 : f32
      %mul3A_473 = vector.broadcast %mul3A_472 : f32 to vector<16xf32>
      %mul3A_474 = arith.mulf %get3A_471, %mul3A_473 : vector<16xf32>
      %get3A_475 = arith.index_cast %add3A_350 : i32 to index
      %get3A_476 = arith.constant 112 : index
      %get3A_477 = tpu.vector_load %arg8[%get3A_475, %get3A_476] {strides = array<i32>} : memref<256x128xf32, #tpu.memory_space<vmem>>, vector<1x16xf32>,
      %get3A_478 = vector.shape_cast %get3A_477 : vector<1x16xf32> to vector<16xf32>
      %add3A_479 = arith.addf %mul3A_474, %get3A_478 : vector<16xf32>
      %swap3A_480 = arith.index_cast %add3A_350 : i32 to index
      %swap3A_481 = arith.constant 112 : index
      %swap3A_482 = tpu.vector_load %arg7[%swap3A_480, %swap3A_481] {strides = array<i32>} : memref<256x128xf32, #tpu.memory_space<vmem>>, vector<1x16xf32>,
      %swap3A_483 = vector.shape_cast %swap3A_482 : vector<1x16xf32> to vector<16xf32>
      %swap3A_484 = vector.shape_cast %add3A_479 : vector<16xf32> to vector<1x16xf32>
      tpu.vector_store %arg7[%swap3A_480, %swap3A_481], %swap3A_484 {strides = array<i32>} : memref<256x128xf32, #tpu.memory_space<vmem>>, vector<1x16xf32>,
    }
    %scan3A_141 = arith.constant 16 : i32
    %add3A_142 = arith.constant 0 : i32
    %add3A_143 = arith.addi %mul3A_2, %add3A_142 : i32
    %dma_start3A_144 = arith.constant 0 : i32
    %dma_start3A_145 = arith.constant 0 : i32
    %dma_start3A_146 = tpu.memref_slice %arg7[%dma_start3A_144, %dma_start3A_145] : memref<256x128xf32, #tpu.memory_space<vmem>> -> memref<16x128xf32, #tpu.memory_space<vmem>>
    %dma_start3A_147 = arith.constant 0 : i32
    %dma_start3A_148 = tpu.memref_slice %arg5[%add3A_143, %dma_start3A_147] : memref<8192x128xf32, #tpu.memory_space<hbm>> -> memref<16x128xf32, #tpu.memory_space<hbm>>
    %dma_start3A_149 = arith.constant 0 : i32
    %dma_start3A_150 = tpu.memref_slice %arg5[%add3A_143, %dma_start3A_149] : memref<8192x128xf32, #tpu.memory_space<hbm>> -> memref<16x128xf32, #tpu.memory_space<hbm>>
    %dma_start3A_151 = arith.constant 0 : i32
    %dma_start3A_152 = arith.constant 0 : i32
    %dma_start3A_153 = tpu.memref_slice %arg7[%dma_start3A_151, %dma_start3A_152] : memref<256x128xf32, #tpu.memory_space<vmem>> -> memref<16x128xf32, #tpu.memory_space<vmem>>
    tpu.enqueue_dma source(%dma_start3A_153 : memref<16x128xf32, #tpu.memory_space<vmem>>) target(%dma_start3A_150 : memref<16x128xf32, #tpu.memory_space<hbm>>) target_semaphore(%arg14 : memref<!tpu.dma_semaphore, #tpu.memory_space<semaphore_mem>>)
    %dma_wait3A_154 = arith.constant 16 : i32
    %dma_wait3A_155 = arith.constant 0 : i32
    %dma_wait3A_156 = tpu.memref_slice %arg7[%dma_wait3A_154, %dma_wait3A_155] : memref<256x128xf32, #tpu.memory_space<vmem>> -> memref<32x128xf32, #tpu.memory_space<vmem>>
    %dma_wait3A_157 = arith.constant 16 : i32
    %dma_wait3A_158 = tpu.memref_slice %arg6[%dma_wait3A_157] : memref<256xi32, #tpu.memory_space<vmem>> -> memref<32xi32, #tpu.memory_space<vmem>>
    %dma_wait3A_159 = arith.constant 0 : i32
    %dma_wait3A_160 = arith.constant 0 : i32
    %dma_wait3A_161 = tpu.memref_slice %arg3[%dma_wait3A_159, %dma_wait3A_160] : memref<1000000x128xf32, #tpu.memory_space<hbm>> -> memref<1000000x128xf32, #tpu.memory_space<hbm>>
    tpu.wait_indirect_dma semaphore(%arg10 : memref<!tpu.dma_semaphore, #tpu.memory_space<semaphore_mem>>) src(%dma_wait3A_161 : memref<1000000x128xf32, #tpu.memory_space<hbm>>) dst(%dma_wait3A_156 : memref<32x128xf32, #tpu.memory_space<vmem>>)
    %dma_wait3A_162 = arith.constant 16 : i32
    %dma_wait3A_163 = arith.constant 0 : i32
    %dma_wait3A_164 = tpu.memref_slice %arg8[%dma_wait3A_162, %dma_wait3A_163] : memref<256x128xf32, #tpu.memory_space<vmem>> -> memref<32x128xf32, #tpu.memory_space<vmem>>
    %dma_wait3A_165 = arith.constant 0 : i32
    %dma_wait3A_166 = tpu.memref_slice %arg4[%add3A_33, %dma_wait3A_165] : memref<2048x128xf32, #tpu.memory_space<hbm>> -> memref<32x128xf32, #tpu.memory_space<hbm>>
    %dma_wait3A_167 = arith.constant 16 : i32
    %dma_wait3A_168 = arith.constant 0 : i32
    %dma_wait3A_169 = tpu.memref_slice %arg8[%dma_wait3A_167, %dma_wait3A_168] : memref<256x128xf32, #tpu.memory_space<vmem>> -> memref<32x128xf32, #tpu.memory_space<vmem>>
    %dma_wait3A_170 = arith.constant 0 : i32
    %dma_wait3A_171 = tpu.memref_slice %arg4[%add3A_33, %dma_wait3A_170] : memref<2048x128xf32, #tpu.memory_space<hbm>> -> memref<32x128xf32, #tpu.memory_space<hbm>>
    tpu.wait_dma2 semaphore(%arg20 : memref<!tpu.dma_semaphore, #tpu.memory_space<semaphore_mem>>) src(%dma_wait3A_171 : memref<32x128xf32, #tpu.memory_space<hbm>>) dst(%dma_wait3A_169 : memref<32x128xf32, #tpu.memory_space<vmem>>)
    %scan3A_172 = arith.constant 0 : i32
    %scan3A_173 = arith.constant 0 : i32
    %scan3A_174 = arith.constant 32 : i32
    %scan3A_175 = arith.addi %scan3A_173, %scan3A_174 : i32
    %scan3A_176 = arith.constant 1 : i32
    scf.for %scan3A_348 = %scan3A_173 to %scan3A_175 step %scan3A_176  : i32 {
      %add3A_349 = arith.constant 16 : i32
      %add3A_350 = arith.addi %add3A_349, %scan3A_348 : i32
      %get3A = arith.index_cast %add3A_350 : i32 to index
      %get3A_351 = arith.constant 0 : index
      %get3A_352 = tpu.vector_load %arg7[%get3A, %get3A_351] {strides = array<i32>} : memref<256x128xf32, #tpu.memory_space<vmem>>, vector<1x16xf32>,
      %get3A_353 = vector.shape_cast %get3A_352 : vector<1x16xf32> to vector<16xf32>
      %mul3A_354 = arith.constant 11.3137083 : f32
      %mul3A_355 = vector.broadcast %mul3A_354 : f32 to vector<16xf32>
      %mul3A_356 = arith.mulf %get3A_353, %mul3A_355 : vector<16xf32>
      %get3A_357 = arith.index_cast %add3A_350 : i32 to index
      %get3A_358 = arith.constant 0 : index
      %get3A_359 = tpu.vector_load %arg8[%get3A_357, %get3A_358] {strides = array<i32>} : memref<256x128xf32, #tpu.memory_space<vmem>>, vector<1x16xf32>,
      %get3A_360 = vector.shape_cast %get3A_359 : vector<1x16xf32> to vector<16xf32>
      %add3A_361 = arith.addf %mul3A_356, %get3A_360 : vector<16xf32>
      %swap3A = arith.index_cast %add3A_350 : i32 to index
      %swap3A_362 = arith.constant 0 : index
      %swap3A_363 = tpu.vector_load %arg7[%swap3A, %swap3A_362] {strides = array<i32>} : memref<256x128xf32, #tpu.memory_space<vmem>>, vector<1x16xf32>,
      %swap3A_364 = vector.shape_cast %swap3A_363 : vector<1x16xf32> to vector<16xf32>
      %swap3A_365 = vector.shape_cast %add3A_361 : vector<16xf32> to vector<1x16xf32>
      tpu.vector_store %arg7[%swap3A, %swap3A_362], %swap3A_365 {strides = array<i32>} : memref<256x128xf32, #tpu.memory_space<vmem>>, vector<1x16xf32>,
      %get3A_366 = arith.index_cast %add3A_350 : i32 to index
      %get3A_367 = arith.constant 16 : index
      %get3A_368 = tpu.vector_load %arg7[%get3A_366, %get3A_367] {strides = array<i32>} : memref<256x128xf32, #tpu.memory_space<vmem>>, vector<1x16xf32>,
      %get3A_369 = vector.shape_cast %get3A_368 : vector<1x16xf32> to vector<16xf32>
      %mul3A_370 = arith.constant 11.3137083 : f32
      %mul3A_371 = vector.broadcast %mul3A_370 : f32 to vector<16xf32>
      %mul3A_372 = arith.mulf %get3A_369, %mul3A_371 : vector<16xf32>
      %get3A_373 = arith.index_cast %add3A_350 : i32 to index
      %get3A_374 = arith.constant 16 : index
      %get3A_375 = tpu.vector_load %arg8[%get3A_373, %get3A_374] {strides = array<i32>} : memref<256x128xf32, #tpu.memory_space<vmem>>, vector<1x16xf32>,
      %get3A_376 = vector.shape_cast %get3A_375 : vector<1x16xf32> to vector<16xf32>
      %add3A_377 = arith.addf %mul3A_372, %get3A_376 : vector<16xf32>
      %swap3A_378 = arith.index_cast %add3A_350 : i32 to index
      %swap3A_379 = arith.constant 16 : index
      %swap3A_380 = tpu.vector_load %arg7[%swap3A_378, %swap3A_379] {strides = array<i32>} : memref<256x128xf32, #tpu.memory_space<vmem>>, vector<1x16xf32>,
      %swap3A_381 = vector.shape_cast %swap3A_380 : vector<1x16xf32> to vector<16xf32>
      %swap3A_382 = vector.shape_cast %add3A_377 : vector<16xf32> to vector<1x16xf32>
      tpu.vector_store %arg7[%swap3A_378, %swap3A_379], %swap3A_382 {strides = array<i32>} : memref<256x128xf32, #tpu.memory_space<vmem>>, vector<1x16xf32>,
      %get3A_383 = arith.index_cast %add3A_350 : i32 to index
      %get3A_384 = arith.constant 32 : index
      %get3A_385 = tpu.vector_load %arg7[%get3A_383, %get3A_384] {strides = array<i32>} : memref<256x128xf32, #tpu.memory_space<vmem>>, vector<1x16xf32>,
      %get3A_386 = vector.shape_cast %get3A_385 : vector<1x16xf32> to vector<16xf32>
      %mul3A_387 = arith.constant 11.3137083 : f32
      %mul3A_388 = vector.broadcast %mul3A_387 : f32 to vector<16xf32>
      %mul3A_389 = arith.mulf %get3A_386, %mul3A_388 : vector<16xf32>
      %get3A_390 = arith.index_cast %add3A_350 : i32 to index
      %get3A_391 = arith.constant 32 : index
      %get3A_392 = tpu.vector_load %arg8[%get3A_390, %get3A_391] {strides = array<i32>} : memref<256x128xf32, #tpu.memory_space<vmem>>, vector<1x16xf32>,
      %get3A_393 = vector.shape_cast %get3A_392 : vector<1x16xf32> to vector<16xf32>
      %add3A_394 = arith.addf %mul3A_389, %get3A_393 : vector<16xf32>
      %swap3A_395 = arith.index_cast %add3A_350 : i32 to index
      %swap3A_396 = arith.constant 32 : index
      %swap3A_397 = tpu.vector_load %arg7[%swap3A_395, %swap3A_396] {strides = array<i32>} : memref<256x128xf32, #tpu.memory_space<vmem>>, vector<1x16xf32>,
      %swap3A_398 = vector.shape_cast %swap3A_397 : vector<1x16xf32> to vector<16xf32>
      %swap3A_399 = vector.shape_cast %add3A_394 : vector<16xf32> to vector<1x16xf32>
      tpu.vector_store %arg7[%swap3A_395, %swap3A_396], %swap3A_399 {strides = array<i32>} : memref<256x128xf32, #tpu.memory_space<vmem>>, vector<1x16xf32>,
      %get3A_400 = arith.index_cast %add3A_350 : i32 to index
      %get3A_401 = arith.constant 48 : index
      %get3A_402 = tpu.vector_load %arg7[%get3A_400, %get3A_401] {strides = array<i32>} : memref<256x128xf32, #tpu.memory_space<vmem>>, vector<1x16xf32>,
      %get3A_403 = vector.shape_cast %get3A_402 : vector<1x16xf32> to vector<16xf32>
      %mul3A_404 = arith.constant 11.3137083 : f32
      %mul3A_405 = vector.broadcast %mul3A_404 : f32 to vector<16xf32>
      %mul3A_406 = arith.mulf %get3A_403, %mul3A_405 : vector<16xf32>
      %get3A_407 = arith.index_cast %add3A_350 : i32 to index
      %get3A_408 = arith.constant 48 : index
      %get3A_409 = tpu.vector_load %arg8[%get3A_407, %get3A_408] {strides = array<i32>} : memref<256x128xf32, #tpu.memory_space<vmem>>, vector<1x16xf32>,
      %get3A_410 = vector.shape_cast %get3A_409 : vector<1x16xf32> to vector<16xf32>
      %add3A_411 = arith.addf %mul3A_406, %get3A_410 : vector<16xf32>
      %swap3A_412 = arith.index_cast %add3A_350 : i32 to index
      %swap3A_413 = arith.constant 48 : index
      %swap3A_414 = tpu.vector_load %arg7[%swap3A_412, %swap3A_413] {strides = array<i32>} : memref<256x128xf32, #tpu.memory_space<vmem>>, vector<1x16xf32>,
      %swap3A_415 = vector.shape_cast %swap3A_414 : vector<1x16xf32> to vector<16xf32>
      %swap3A_416 = vector.shape_cast %add3A_411 : vector<16xf32> to vector<1x16xf32>
      tpu.vector_store %arg7[%swap3A_412, %swap3A_413], %swap3A_416 {strides = array<i32>} : memref<256x128xf32, #tpu.memory_space<vmem>>, vector<1x16xf32>,
      %get3A_417 = arith.index_cast %add3A_350 : i32 to index
      %get3A_418 = arith.constant 64 : index
      %get3A_419 = tpu.vector_load %arg7[%get3A_417, %get3A_418] {strides = array<i32>} : memref<256x128xf32, #tpu.memory_space<vmem>>, vector<1x16xf32>,
      %get3A_420 = vector.shape_cast %get3A_419 : vector<1x16xf32> to vector<16xf32>
      %mul3A_421 = arith.constant 11.3137083 : f32
      %mul3A_422 = vector.broadcast %mul3A_421 : f32 to vector<16xf32>
      %mul3A_423 = arith.mulf %get3A_420, %mul3A_422 : vector<16xf32>
      %get3A_424 = arith.index_cast %add3A_350 : i32 to index
      %get3A_425 = arith.constant 64 : index
      %get3A_426 = tpu.vector_load %arg8[%get3A_424, %get3A_425] {strides = array<i32>} : memref<256x128xf32, #tpu.memory_space<vmem>>, vector<1x16xf32>,
      %get3A_427 = vector.shape_cast %get3A_426 : vector<1x16xf32> to vector<16xf32>
      %add3A_428 = arith.addf %mul3A_423, %get3A_427 : vector<16xf32>
      %swap3A_429 = arith.index_cast %add3A_350 : i32 to index
      %swap3A_430 = arith.constant 64 : index
      %swap3A_431 = tpu.vector_load %arg7[%swap3A_429, %swap3A_430] {strides = array<i32>} : memref<256x128xf32, #tpu.memory_space<vmem>>, vector<1x16xf32>,
      %swap3A_432 = vector.shape_cast %swap3A_431 : vector<1x16xf32> to vector<16xf32>
      %swap3A_433 = vector.shape_cast %add3A_428 : vector<16xf32> to vector<1x16xf32>
      tpu.vector_store %arg7[%swap3A_429, %swap3A_430], %swap3A_433 {strides = array<i32>} : memref<256x128xf32, #tpu.memory_space<vmem>>, vector<1x16xf32>,
      %get3A_434 = arith.index_cast %add3A_350 : i32 to index
      %get3A_435 = arith.constant 80 : index
      %get3A_436 = tpu.vector_load %arg7[%get3A_434, %get3A_435] {strides = array<i32>} : memref<256x128xf32, #tpu.memory_space<vmem>>, vector<1x16xf32>,
      %get3A_437 = vector.shape_cast %get3A_436 : vector<1x16xf32> to vector<16xf32>
      %mul3A_438 = arith.constant 11.3137083 : f32
      %mul3A_439 = vector.broadcast %mul3A_438 : f32 to vector<16xf32>
      %mul3A_440 = arith.mulf %get3A_437, %mul3A_439 : vector<16xf32>
      %get3A_441 = arith.index_cast %add3A_350 : i32 to index
      %get3A_442 = arith.constant 80 : index
      %get3A_443 = tpu.vector_load %arg8[%get3A_441, %get3A_442] {strides = array<i32>} : memref<256x128xf32, #tpu.memory_space<vmem>>, vector<1x16xf32>,
      %get3A_444 = vector.shape_cast %get3A_443 : vector<1x16xf32> to vector<16xf32>
      %add3A_445 = arith.addf %mul3A_440, %get3A_444 : vector<16xf32>
      %swap3A_446 = arith.index_cast %add3A_350 : i32 to index
      %swap3A_447 = arith.constant 80 : index
      %swap3A_448 = tpu.vector_load %arg7[%swap3A_446, %swap3A_447] {strides = array<i32>} : memref<256x128xf32, #tpu.memory_space<vmem>>, vector<1x16xf32>,
      %swap3A_449 = vector.shape_cast %swap3A_448 : vector<1x16xf32> to vector<16xf32>
      %swap3A_450 = vector.shape_cast %add3A_445 : vector<16xf32> to vector<1x16xf32>
      tpu.vector_store %arg7[%swap3A_446, %swap3A_447], %swap3A_450 {strides = array<i32>} : memref<256x128xf32, #tpu.memory_space<vmem>>, vector<1x16xf32>,
      %get3A_451 = arith.index_cast %add3A_350 : i32 to index
      %get3A_452 = arith.constant 96 : index
      %get3A_453 = tpu.vector_load %arg7[%get3A_451, %get3A_452] {strides = array<i32>} : memref<256x128xf32, #tpu.memory_space<vmem>>, vector<1x16xf32>,
      %get3A_454 = vector.shape_cast %get3A_453 : vector<1x16xf32> to vector<16xf32>
      %mul3A_455 = arith.constant 11.3137083 : f32
      %mul3A_456 = vector.broadcast %mul3A_455 : f32 to vector<16xf32>
      %mul3A_457 = arith.mulf %get3A_454, %mul3A_456 : vector<16xf32>
      %get3A_458 = arith.index_cast %add3A_350 : i32 to index
      %get3A_459 = arith.constant 96 : index
      %get3A_460 = tpu.vector_load %arg8[%get3A_458, %get3A_459] {strides = array<i32>} : memref<256x128xf32, #tpu.memory_space<vmem>>, vector<1x16xf32>,
      %get3A_461 = vector.shape_cast %get3A_460 : vector<1x16xf32> to vector<16xf32>
      %add3A_462 = arith.addf %mul3A_457, %get3A_461 : vector<16xf32>
      %swap3A_463 = arith.index_cast %add3A_350 : i32 to index
      %swap3A_464 = arith.constant 96 : index
      %swap3A_465 = tpu.vector_load %arg7[%swap3A_463, %swap3A_464] {strides = array<i32>} : memref<256x128xf32, #tpu.memory_space<vmem>>, vector<1x16xf32>,
      %swap3A_466 = vector.shape_cast %swap3A_465 : vector<1x16xf32> to vector<16xf32>
      %swap3A_467 = vector.shape_cast %add3A_462 : vector<16xf32> to vector<1x16xf32>
      tpu.vector_store %arg7[%swap3A_463, %swap3A_464], %swap3A_467 {strides = array<i32>} : memref<256x128xf32, #tpu.memory_space<vmem>>, vector<1x16xf32>,
      %get3A_468 = arith.index_cast %add3A_350 : i32 to index
      %get3A_469 = arith.constant 112 : index
      %get3A_470 = tpu.vector_load %arg7[%get3A_468, %get3A_469] {strides = array<i32>} : memref<256x128xf32, #tpu.memory_space<vmem>>, vector<1x16xf32>,
      %get3A_471 = vector.shape_cast %get3A_470 : vector<1x16xf32> to vector<16xf32>
      %mul3A_472 = arith.constant 11.3137083 : f32
      %mul3A_473 = vector.broadcast %mul3A_472 : f32 to vector<16xf32>
      %mul3A_474 = arith.mulf %get3A_471, %mul3A_473 : vector<16xf32>
      %get3A_475 = arith.index_cast %add3A_350 : i32 to index
      %get3A_476 = arith.constant 112 : index
      %get3A_477 = tpu.vector_load %arg8[%get3A_475, %get3A_476] {strides = array<i32>} : memref<256x128xf32, #tpu.memory_space<vmem>>, vector<1x16xf32>,
      %get3A_478 = vector.shape_cast %get3A_477 : vector<1x16xf32> to vector<16xf32>
      %add3A_479 = arith.addf %mul3A_474, %get3A_478 : vector<16xf32>
      %swap3A_480 = arith.index_cast %add3A_350 : i32 to index
      %swap3A_481 = arith.constant 112 : index
      %swap3A_482 = tpu.vector_load %arg7[%swap3A_480, %swap3A_481] {strides = array<i32>} : memref<256x128xf32, #tpu.memory_space<vmem>>, vector<1x16xf32>,
      %swap3A_483 = vector.shape_cast %swap3A_482 : vector<1x16xf32> to vector<16xf32>
      %swap3A_484 = vector.shape_cast %add3A_479 : vector<16xf32> to vector<1x16xf32>
      tpu.vector_store %arg7[%swap3A_480, %swap3A_481], %swap3A_484 {strides = array<i32>} : memref<256x128xf32, #tpu.memory_space<vmem>>, vector<1x16xf32>,
    }
    %scan3A_177 = arith.constant 32 : i32
    %add3A_178 = arith.constant 16 : i32
    %add3A_179 = arith.addi %mul3A_2, %add3A_178 : i32
    %dma_start3A_180 = arith.constant 16 : i32
    %dma_start3A_181 = arith.constant 0 : i32
    %dma_start3A_182 = tpu.memref_slice %arg7[%dma_start3A_180, %dma_start3A_181] : memref<256x128xf32, #tpu.memory_space<vmem>> -> memref<32x128xf32, #tpu.memory_space<vmem>>
    %dma_start3A_183 = arith.constant 0 : i32
    %dma_start3A_184 = tpu.memref_slice %arg5[%add3A_179, %dma_start3A_183] : memref<8192x128xf32, #tpu.memory_space<hbm>> -> memref<32x128xf32, #tpu.memory_space<hbm>>
    %dma_start3A_185 = arith.constant 0 : i32
    %dma_start3A_186 = tpu.memref_slice %arg5[%add3A_179, %dma_start3A_185] : memref<8192x128xf32, #tpu.memory_space<hbm>> -> memref<32x128xf32, #tpu.memory_space<hbm>>
    %dma_start3A_187 = arith.constant 16 : i32
    %dma_start3A_188 = arith.constant 0 : i32
    %dma_start3A_189 = tpu.memref_slice %arg7[%dma_start3A_187, %dma_start3A_188] : memref<256x128xf32, #tpu.memory_space<vmem>> -> memref<32x128xf32, #tpu.memory_space<vmem>>
    tpu.enqueue_dma source(%dma_start3A_189 : memref<32x128xf32, #tpu.memory_space<vmem>>) target(%dma_start3A_186 : memref<32x128xf32, #tpu.memory_space<hbm>>) target_semaphore(%arg15 : memref<!tpu.dma_semaphore, #tpu.memory_space<semaphore_mem>>)
    %dma_wait3A_190 = arith.constant 48 : i32
    %dma_wait3A_191 = arith.constant 0 : i32
    %dma_wait3A_192 = tpu.memref_slice %arg7[%dma_wait3A_190, %dma_wait3A_191] : memref<256x128xf32, #tpu.memory_space<vmem>> -> memref<48x128xf32, #tpu.memory_space<vmem>>
    %dma_wait3A_193 = arith.constant 48 : i32
    %dma_wait3A_194 = tpu.memref_slice %arg6[%dma_wait3A_193] : memref<256xi32, #tpu.memory_space<vmem>> -> memref<48xi32, #tpu.memory_space<vmem>>
    %dma_wait3A_195 = arith.constant 0 : i32
    %dma_wait3A_196 = arith.constant 0 : i32
    %dma_wait3A_197 = tpu.memref_slice %arg3[%dma_wait3A_195, %dma_wait3A_196] : memref<1000000x128xf32, #tpu.memory_space<hbm>> -> memref<1000000x128xf32, #tpu.memory_space<hbm>>
    tpu.wait_indirect_dma semaphore(%arg11 : memref<!tpu.dma_semaphore, #tpu.memory_space<semaphore_mem>>) src(%dma_wait3A_197 : memref<1000000x128xf32, #tpu.memory_space<hbm>>) dst(%dma_wait3A_192 : memref<48x128xf32, #tpu.memory_space<vmem>>)
    %dma_wait3A_198 = arith.constant 48 : i32
    %dma_wait3A_199 = arith.constant 0 : i32
    %dma_wait3A_200 = tpu.memref_slice %arg8[%dma_wait3A_198, %dma_wait3A_199] : memref<256x128xf32, #tpu.memory_space<vmem>> -> memref<48x128xf32, #tpu.memory_space<vmem>>
    %dma_wait3A_201 = arith.constant 0 : i32
    %dma_wait3A_202 = tpu.memref_slice %arg4[%add3A_45, %dma_wait3A_201] : memref<2048x128xf32, #tpu.memory_space<hbm>> -> memref<48x128xf32, #tpu.memory_space<hbm>>
    %dma_wait3A_203 = arith.constant 48 : i32
    %dma_wait3A_204 = arith.constant 0 : i32
    %dma_wait3A_205 = tpu.memref_slice %arg8[%dma_wait3A_203, %dma_wait3A_204] : memref<256x128xf32, #tpu.memory_space<vmem>> -> memref<48x128xf32, #tpu.memory_space<vmem>>
    %dma_wait3A_206 = arith.constant 0 : i32
    %dma_wait3A_207 = tpu.memref_slice %arg4[%add3A_45, %dma_wait3A_206] : memref<2048x128xf32, #tpu.memory_space<hbm>> -> memref<48x128xf32, #tpu.memory_space<hbm>>
    tpu.wait_dma2 semaphore(%arg21 : memref<!tpu.dma_semaphore, #tpu.memory_space<semaphore_mem>>) src(%dma_wait3A_207 : memref<48x128xf32, #tpu.memory_space<hbm>>) dst(%dma_wait3A_205 : memref<48x128xf32, #tpu.memory_space<vmem>>)
    %scan3A_208 = arith.constant 0 : i32
    %scan3A_209 = arith.constant 0 : i32
    %scan3A_210 = arith.constant 48 : i32
    %scan3A_211 = arith.addi %scan3A_209, %scan3A_210 : i32
    %scan3A_212 = arith.constant 1 : i32
    scf.for %scan3A_348 = %scan3A_209 to %scan3A_211 step %scan3A_212  : i32 {
      %add3A_349 = arith.constant 48 : i32
      %add3A_350 = arith.addi %add3A_349, %scan3A_348 : i32
      %get3A = arith.index_cast %add3A_350 : i32 to index
      %get3A_351 = arith.constant 0 : index
      %get3A_352 = tpu.vector_load %arg7[%get3A, %get3A_351] {strides = array<i32>} : memref<256x128xf32, #tpu.memory_space<vmem>>, vector<1x16xf32>,
      %get3A_353 = vector.shape_cast %get3A_352 : vector<1x16xf32> to vector<16xf32>
      %mul3A_354 = arith.constant 11.3137083 : f32
      %mul3A_355 = vector.broadcast %mul3A_354 : f32 to vector<16xf32>
      %mul3A_356 = arith.mulf %get3A_353, %mul3A_355 : vector<16xf32>
      %get3A_357 = arith.index_cast %add3A_350 : i32 to index
      %get3A_358 = arith.constant 0 : index
      %get3A_359 = tpu.vector_load %arg8[%get3A_357, %get3A_358] {strides = array<i32>} : memref<256x128xf32, #tpu.memory_space<vmem>>, vector<1x16xf32>,
      %get3A_360 = vector.shape_cast %get3A_359 : vector<1x16xf32> to vector<16xf32>
      %add3A_361 = arith.addf %mul3A_356, %get3A_360 : vector<16xf32>
      %swap3A = arith.index_cast %add3A_350 : i32 to index
      %swap3A_362 = arith.constant 0 : index
      %swap3A_363 = tpu.vector_load %arg7[%swap3A, %swap3A_362] {strides = array<i32>} : memref<256x128xf32, #tpu.memory_space<vmem>>, vector<1x16xf32>,
      %swap3A_364 = vector.shape_cast %swap3A_363 : vector<1x16xf32> to vector<16xf32>
      %swap3A_365 = vector.shape_cast %add3A_361 : vector<16xf32> to vector<1x16xf32>
      tpu.vector_store %arg7[%swap3A, %swap3A_362], %swap3A_365 {strides = array<i32>} : memref<256x128xf32, #tpu.memory_space<vmem>>, vector<1x16xf32>,
      %get3A_366 = arith.index_cast %add3A_350 : i32 to index
      %get3A_367 = arith.constant 16 : index
      %get3A_368 = tpu.vector_load %arg7[%get3A_366, %get3A_367] {strides = array<i32>} : memref<256x128xf32, #tpu.memory_space<vmem>>, vector<1x16xf32>,
      %get3A_369 = vector.shape_cast %get3A_368 : vector<1x16xf32> to vector<16xf32>
      %mul3A_370 = arith.constant 11.3137083 : f32
      %mul3A_371 = vector.broadcast %mul3A_370 : f32 to vector<16xf32>
      %mul3A_372 = arith.mulf %get3A_369, %mul3A_371 : vector<16xf32>
      %get3A_373 = arith.index_cast %add3A_350 : i32 to index
      %get3A_374 = arith.constant 16 : index
      %get3A_375 = tpu.vector_load %arg8[%get3A_373, %get3A_374] {strides = array<i32>} : memref<256x128xf32, #tpu.memory_space<vmem>>, vector<1x16xf32>,
      %get3A_376 = vector.shape_cast %get3A_375 : vector<1x16xf32> to vector<16xf32>
      %add3A_377 = arith.addf %mul3A_372, %get3A_376 : vector<16xf32>
      %swap3A_378 = arith.index_cast %add3A_350 : i32 to index
      %swap3A_379 = arith.constant 16 : index
      %swap3A_380 = tpu.vector_load %arg7[%swap3A_378, %swap3A_379] {strides = array<i32>} : memref<256x128xf32, #tpu.memory_space<vmem>>, vector<1x16xf32>,
      %swap3A_381 = vector.shape_cast %swap3A_380 : vector<1x16xf32> to vector<16xf32>
      %swap3A_382 = vector.shape_cast %add3A_377 : vector<16xf32> to vector<1x16xf32>
      tpu.vector_store %arg7[%swap3A_378, %swap3A_379], %swap3A_382 {strides = array<i32>} : memref<256x128xf32, #tpu.memory_space<vmem>>, vector<1x16xf32>,
      %get3A_383 = arith.index_cast %add3A_350 : i32 to index
      %get3A_384 = arith.constant 32 : index
      %get3A_385 = tpu.vector_load %arg7[%get3A_383, %get3A_384] {strides = array<i32>} : memref<256x128xf32, #tpu.memory_space<vmem>>, vector<1x16xf32>,
      %get3A_386 = vector.shape_cast %get3A_385 : vector<1x16xf32> to vector<16xf32>
      %mul3A_387 = arith.constant 11.3137083 : f32
      %mul3A_388 = vector.broadcast %mul3A_387 : f32 to vector<16xf32>
      %mul3A_389 = arith.mulf %get3A_386, %mul3A_388 : vector<16xf32>
      %get3A_390 = arith.index_cast %add3A_350 : i32 to index
      %get3A_391 = arith.constant 32 : index
      %get3A_392 = tpu.vector_load %arg8[%get3A_390, %get3A_391] {strides = array<i32>} : memref<256x128xf32, #tpu.memory_space<vmem>>, vector<1x16xf32>,
      %get3A_393 = vector.shape_cast %get3A_392 : vector<1x16xf32> to vector<16xf32>
      %add3A_394 = arith.addf %mul3A_389, %get3A_393 : vector<16xf32>
      %swap3A_395 = arith.index_cast %add3A_350 : i32 to index
      %swap3A_396 = arith.constant 32 : index
      %swap3A_397 = tpu.vector_load %arg7[%swap3A_395, %swap3A_396] {strides = array<i32>} : memref<256x128xf32, #tpu.memory_space<vmem>>, vector<1x16xf32>,
      %swap3A_398 = vector.shape_cast %swap3A_397 : vector<1x16xf32> to vector<16xf32>
      %swap3A_399 = vector.shape_cast %add3A_394 : vector<16xf32> to vector<1x16xf32>
      tpu.vector_store %arg7[%swap3A_395, %swap3A_396], %swap3A_399 {strides = array<i32>} : memref<256x128xf32, #tpu.memory_space<vmem>>, vector<1x16xf32>,
      %get3A_400 = arith.index_cast %add3A_350 : i32 to index
      %get3A_401 = arith.constant 48 : index
      %get3A_402 = tpu.vector_load %arg7[%get3A_400, %get3A_401] {strides = array<i32>} : memref<256x128xf32, #tpu.memory_space<vmem>>, vector<1x16xf32>,
      %get3A_403 = vector.shape_cast %get3A_402 : vector<1x16xf32> to vector<16xf32>
      %mul3A_404 = arith.constant 11.3137083 : f32
      %mul3A_405 = vector.broadcast %mul3A_404 : f32 to vector<16xf32>
      %mul3A_406 = arith.mulf %get3A_403, %mul3A_405 : vector<16xf32>
      %get3A_407 = arith.index_cast %add3A_350 : i32 to index
      %get3A_408 = arith.constant 48 : index
      %get3A_409 = tpu.vector_load %arg8[%get3A_407, %get3A_408] {strides = array<i32>} : memref<256x128xf32, #tpu.memory_space<vmem>>, vector<1x16xf32>,
      %get3A_410 = vector.shape_cast %get3A_409 : vector<1x16xf32> to vector<16xf32>
      %add3A_411 = arith.addf %mul3A_406, %get3A_410 : vector<16xf32>
      %swap3A_412 = arith.index_cast %add3A_350 : i32 to index
      %swap3A_413 = arith.constant 48 : index
      %swap3A_414 = tpu.vector_load %arg7[%swap3A_412, %swap3A_413] {strides = array<i32>} : memref<256x128xf32, #tpu.memory_space<vmem>>, vector<1x16xf32>,
      %swap3A_415 = vector.shape_cast %swap3A_414 : vector<1x16xf32> to vector<16xf32>
      %swap3A_416 = vector.shape_cast %add3A_411 : vector<16xf32> to vector<1x16xf32>
      tpu.vector_store %arg7[%swap3A_412, %swap3A_413], %swap3A_416 {strides = array<i32>} : memref<256x128xf32, #tpu.memory_space<vmem>>, vector<1x16xf32>,
      %get3A_417 = arith.index_cast %add3A_350 : i32 to index
      %get3A_418 = arith.constant 64 : index
      %get3A_419 = tpu.vector_load %arg7[%get3A_417, %get3A_418] {strides = array<i32>} : memref<256x128xf32, #tpu.memory_space<vmem>>, vector<1x16xf32>,
      %get3A_420 = vector.shape_cast %get3A_419 : vector<1x16xf32> to vector<16xf32>
      %mul3A_421 = arith.constant 11.3137083 : f32
      %mul3A_422 = vector.broadcast %mul3A_421 : f32 to vector<16xf32>
      %mul3A_423 = arith.mulf %get3A_420, %mul3A_422 : vector<16xf32>
      %get3A_424 = arith.index_cast %add3A_350 : i32 to index
      %get3A_425 = arith.constant 64 : index
      %get3A_426 = tpu.vector_load %arg8[%get3A_424, %get3A_425] {strides = array<i32>} : memref<256x128xf32, #tpu.memory_space<vmem>>, vector<1x16xf32>,
      %get3A_427 = vector.shape_cast %get3A_426 : vector<1x16xf32> to vector<16xf32>
      %add3A_428 = arith.addf %mul3A_423, %get3A_427 : vector<16xf32>
      %swap3A_429 = arith.index_cast %add3A_350 : i32 to index
      %swap3A_430 = arith.constant 64 : index
      %swap3A_431 = tpu.vector_load %arg7[%swap3A_429, %swap3A_430] {strides = array<i32>} : memref<256x128xf32, #tpu.memory_space<vmem>>, vector<1x16xf32>,
      %swap3A_432 = vector.shape_cast %swap3A_431 : vector<1x16xf32> to vector<16xf32>
      %swap3A_433 = vector.shape_cast %add3A_428 : vector<16xf32> to vector<1x16xf32>
      tpu.vector_store %arg7[%swap3A_429, %swap3A_430], %swap3A_433 {strides = array<i32>} : memref<256x128xf32, #tpu.memory_space<vmem>>, vector<1x16xf32>,
      %get3A_434 = arith.index_cast %add3A_350 : i32 to index
      %get3A_435 = arith.constant 80 : index
      %get3A_436 = tpu.vector_load %arg7[%get3A_434, %get3A_435] {strides = array<i32>} : memref<256x128xf32, #tpu.memory_space<vmem>>, vector<1x16xf32>,
      %get3A_437 = vector.shape_cast %get3A_436 : vector<1x16xf32> to vector<16xf32>
      %mul3A_438 = arith.constant 11.3137083 : f32
      %mul3A_439 = vector.broadcast %mul3A_438 : f32 to vector<16xf32>
      %mul3A_440 = arith.mulf %get3A_437, %mul3A_439 : vector<16xf32>
      %get3A_441 = arith.index_cast %add3A_350 : i32 to index
      %get3A_442 = arith.constant 80 : index
      %get3A_443 = tpu.vector_load %arg8[%get3A_441, %get3A_442] {strides = array<i32>} : memref<256x128xf32, #tpu.memory_space<vmem>>, vector<1x16xf32>,
      %get3A_444 = vector.shape_cast %get3A_443 : vector<1x16xf32> to vector<16xf32>
      %add3A_445 = arith.addf %mul3A_440, %get3A_444 : vector<16xf32>
      %swap3A_446 = arith.index_cast %add3A_350 : i32 to index
      %swap3A_447 = arith.constant 80 : index
      %swap3A_448 = tpu.vector_load %arg7[%swap3A_446, %swap3A_447] {strides = array<i32>} : memref<256x128xf32, #tpu.memory_space<vmem>>, vector<1x16xf32>,
      %swap3A_449 = vector.shape_cast %swap3A_448 : vector<1x16xf32> to vector<16xf32>
      %swap3A_450 = vector.shape_cast %add3A_445 : vector<16xf32> to vector<1x16xf32>
      tpu.vector_store %arg7[%swap3A_446, %swap3A_447], %swap3A_450 {strides = array<i32>} : memref<256x128xf32, #tpu.memory_space<vmem>>, vector<1x16xf32>,
      %get3A_451 = arith.index_cast %add3A_350 : i32 to index
      %get3A_452 = arith.constant 96 : index
      %get3A_453 = tpu.vector_load %arg7[%get3A_451, %get3A_452] {strides = array<i32>} : memref<256x128xf32, #tpu.memory_space<vmem>>, vector<1x16xf32>,
      %get3A_454 = vector.shape_cast %get3A_453 : vector<1x16xf32> to vector<16xf32>
      %mul3A_455 = arith.constant 11.3137083 : f32
      %mul3A_456 = vector.broadcast %mul3A_455 : f32 to vector<16xf32>
      %mul3A_457 = arith.mulf %get3A_454, %mul3A_456 : vector<16xf32>
      %get3A_458 = arith.index_cast %add3A_350 : i32 to index
      %get3A_459 = arith.constant 96 : index
      %get3A_460 = tpu.vector_load %arg8[%get3A_458, %get3A_459] {strides = array<i32>} : memref<256x128xf32, #tpu.memory_space<vmem>>, vector<1x16xf32>,
      %get3A_461 = vector.shape_cast %get3A_460 : vector<1x16xf32> to vector<16xf32>
      %add3A_462 = arith.addf %mul3A_457, %get3A_461 : vector<16xf32>
      %swap3A_463 = arith.index_cast %add3A_350 : i32 to index
      %swap3A_464 = arith.constant 96 : index
      %swap3A_465 = tpu.vector_load %arg7[%swap3A_463, %swap3A_464] {strides = array<i32>} : memref<256x128xf32, #tpu.memory_space<vmem>>, vector<1x16xf32>,
      %swap3A_466 = vector.shape_cast %swap3A_465 : vector<1x16xf32> to vector<16xf32>
      %swap3A_467 = vector.shape_cast %add3A_462 : vector<16xf32> to vector<1x16xf32>
      tpu.vector_store %arg7[%swap3A_463, %swap3A_464], %swap3A_467 {strides = array<i32>} : memref<256x128xf32, #tpu.memory_space<vmem>>, vector<1x16xf32>,
      %get3A_468 = arith.index_cast %add3A_350 : i32 to index
      %get3A_469 = arith.constant 112 : index
      %get3A_470 = tpu.vector_load %arg7[%get3A_468, %get3A_469] {strides = array<i32>} : memref<256x128xf32, #tpu.memory_space<vmem>>, vector<1x16xf32>,
      %get3A_471 = vector.shape_cast %get3A_470 : vector<1x16xf32> to vector<16xf32>
      %mul3A_472 = arith.constant 11.3137083 : f32
      %mul3A_473 = vector.broadcast %mul3A_472 : f32 to vector<16xf32>
      %mul3A_474 = arith.mulf %get3A_471, %mul3A_473 : vector<16xf32>
      %get3A_475 = arith.index_cast %add3A_350 : i32 to index
      %get3A_476 = arith.constant 112 : index
      %get3A_477 = tpu.vector_load %arg8[%get3A_475, %get3A_476] {strides = array<i32>} : memref<256x128xf32, #tpu.memory_space<vmem>>, vector<1x16xf32>,
      %get3A_478 = vector.shape_cast %get3A_477 : vector<1x16xf32> to vector<16xf32>
      %add3A_479 = arith.addf %mul3A_474, %get3A_478 : vector<16xf32>
      %swap3A_480 = arith.index_cast %add3A_350 : i32 to index
      %swap3A_481 = arith.constant 112 : index
      %swap3A_482 = tpu.vector_load %arg7[%swap3A_480, %swap3A_481] {strides = array<i32>} : memref<256x128xf32, #tpu.memory_space<vmem>>, vector<1x16xf32>,
      %swap3A_483 = vector.shape_cast %swap3A_482 : vector<1x16xf32> to vector<16xf32>
      %swap3A_484 = vector.shape_cast %add3A_479 : vector<16xf32> to vector<1x16xf32>
      tpu.vector_store %arg7[%swap3A_480, %swap3A_481], %swap3A_484 {strides = array<i32>} : memref<256x128xf32, #tpu.memory_space<vmem>>, vector<1x16xf32>,
    }
    %scan3A_213 = arith.constant 48 : i32
    %add3A_214 = arith.constant 48 : i32
    %add3A_215 = arith.addi %mul3A_2, %add3A_214 : i32
    %dma_start3A_216 = arith.constant 48 : i32
    %dma_start3A_217 = arith.constant 0 : i32
    %dma_start3A_218 = tpu.memref_slice %arg7[%dma_start3A_216, %dma_start3A_217] : memref<256x128xf32, #tpu.memory_space<vmem>> -> memref<48x128xf32, #tpu.memory_space<vmem>>
    %dma_start3A_219 = arith.constant 0 : i32
    %dma_start3A_220 = tpu.memref_slice %arg5[%add3A_215, %dma_start3A_219] : memref<8192x128xf32, #tpu.memory_space<hbm>> -> memref<48x128xf32, #tpu.memory_space<hbm>>
    %dma_start3A_221 = arith.constant 0 : i32
    %dma_start3A_222 = tpu.memref_slice %arg5[%add3A_215, %dma_start3A_221] : memref<8192x128xf32, #tpu.memory_space<hbm>> -> memref<48x128xf32, #tpu.memory_space<hbm>>
    %dma_start3A_223 = arith.constant 48 : i32
    %dma_start3A_224 = arith.constant 0 : i32
    %dma_start3A_225 = tpu.memref_slice %arg7[%dma_start3A_223, %dma_start3A_224] : memref<256x128xf32, #tpu.memory_space<vmem>> -> memref<48x128xf32, #tpu.memory_space<vmem>>
    tpu.enqueue_dma source(%dma_start3A_225 : memref<48x128xf32, #tpu.memory_space<vmem>>) target(%dma_start3A_222 : memref<48x128xf32, #tpu.memory_space<hbm>>) target_semaphore(%arg16 : memref<!tpu.dma_semaphore, #tpu.memory_space<semaphore_mem>>)
    %dma_wait3A_226 = arith.constant 96 : i32
    %dma_wait3A_227 = arith.constant 0 : i32
    %dma_wait3A_228 = tpu.memref_slice %arg7[%dma_wait3A_226, %dma_wait3A_227] : memref<256x128xf32, #tpu.memory_space<vmem>> -> memref<80x128xf32, #tpu.memory_space<vmem>>
    %dma_wait3A_229 = arith.constant 96 : i32
    %dma_wait3A_230 = tpu.memref_slice %arg6[%dma_wait3A_229] : memref<256xi32, #tpu.memory_space<vmem>> -> memref<80xi32, #tpu.memory_space<vmem>>
    %dma_wait3A_231 = arith.constant 0 : i32
    %dma_wait3A_232 = arith.constant 0 : i32
    %dma_wait3A_233 = tpu.memref_slice %arg3[%dma_wait3A_231, %dma_wait3A_232] : memref<1000000x128xf32, #tpu.memory_space<hbm>> -> memref<1000000x128xf32, #tpu.memory_space<hbm>>
    tpu.wait_indirect_dma semaphore(%arg12 : memref<!tpu.dma_semaphore, #tpu.memory_space<semaphore_mem>>) src(%dma_wait3A_233 : memref<1000000x128xf32, #tpu.memory_space<hbm>>) dst(%dma_wait3A_228 : memref<80x128xf32, #tpu.memory_space<vmem>>)
    %dma_wait3A_234 = arith.constant 96 : i32
    %dma_wait3A_235 = arith.constant 0 : i32
    %dma_wait3A_236 = tpu.memref_slice %arg8[%dma_wait3A_234, %dma_wait3A_235] : memref<256x128xf32, #tpu.memory_space<vmem>> -> memref<80x128xf32, #tpu.memory_space<vmem>>
    %dma_wait3A_237 = arith.constant 0 : i32
    %dma_wait3A_238 = tpu.memref_slice %arg4[%add3A_57, %dma_wait3A_237] : memref<2048x128xf32, #tpu.memory_space<hbm>> -> memref<80x128xf32, #tpu.memory_space<hbm>>
    %dma_wait3A_239 = arith.constant 96 : i32
    %dma_wait3A_240 = arith.constant 0 : i32
    %dma_wait3A_241 = tpu.memref_slice %arg8[%dma_wait3A_239, %dma_wait3A_240] : memref<256x128xf32, #tpu.memory_space<vmem>> -> memref<80x128xf32, #tpu.memory_space<vmem>>
    %dma_wait3A_242 = arith.constant 0 : i32
    %dma_wait3A_243 = tpu.memref_slice %arg4[%add3A_57, %dma_wait3A_242] : memref<2048x128xf32, #tpu.memory_space<hbm>> -> memref<80x128xf32, #tpu.memory_space<hbm>>
    tpu.wait_dma2 semaphore(%arg22 : memref<!tpu.dma_semaphore, #tpu.memory_space<semaphore_mem>>) src(%dma_wait3A_243 : memref<80x128xf32, #tpu.memory_space<hbm>>) dst(%dma_wait3A_241 : memref<80x128xf32, #tpu.memory_space<vmem>>)
    %scan3A_244 = arith.constant 0 : i32
    %scan3A_245 = arith.constant 0 : i32
    %scan3A_246 = arith.constant 80 : i32
    %scan3A_247 = arith.addi %scan3A_245, %scan3A_246 : i32
    %scan3A_248 = arith.constant 1 : i32
    scf.for %scan3A_348 = %scan3A_245 to %scan3A_247 step %scan3A_248  : i32 {
      %add3A_349 = arith.constant 96 : i32
      %add3A_350 = arith.addi %add3A_349, %scan3A_348 : i32
      %get3A = arith.index_cast %add3A_350 : i32 to index
      %get3A_351 = arith.constant 0 : index
      %get3A_352 = tpu.vector_load %arg7[%get3A, %get3A_351] {strides = array<i32>} : memref<256x128xf32, #tpu.memory_space<vmem>>, vector<1x16xf32>,
      %get3A_353 = vector.shape_cast %get3A_352 : vector<1x16xf32> to vector<16xf32>
      %mul3A_354 = arith.constant 11.3137083 : f32
      %mul3A_355 = vector.broadcast %mul3A_354 : f32 to vector<16xf32>
      %mul3A_356 = arith.mulf %get3A_353, %mul3A_355 : vector<16xf32>
      %get3A_357 = arith.index_cast %add3A_350 : i32 to index
      %get3A_358 = arith.constant 0 : index
      %get3A_359 = tpu.vector_load %arg8[%get3A_357, %get3A_358] {strides = array<i32>} : memref<256x128xf32, #tpu.memory_space<vmem>>, vector<1x16xf32>,
      %get3A_360 = vector.shape_cast %get3A_359 : vector<1x16xf32> to vector<16xf32>
      %add3A_361 = arith.addf %mul3A_356, %get3A_360 : vector<16xf32>
      %swap3A = arith.index_cast %add3A_350 : i32 to index
      %swap3A_362 = arith.constant 0 : index
      %swap3A_363 = tpu.vector_load %arg7[%swap3A, %swap3A_362] {strides = array<i32>} : memref<256x128xf32, #tpu.memory_space<vmem>>, vector<1x16xf32>,
      %swap3A_364 = vector.shape_cast %swap3A_363 : vector<1x16xf32> to vector<16xf32>
      %swap3A_365 = vector.shape_cast %add3A_361 : vector<16xf32> to vector<1x16xf32>
      tpu.vector_store %arg7[%swap3A, %swap3A_362], %swap3A_365 {strides = array<i32>} : memref<256x128xf32, #tpu.memory_space<vmem>>, vector<1x16xf32>,
      %get3A_366 = arith.index_cast %add3A_350 : i32 to index
      %get3A_367 = arith.constant 16 : index
      %get3A_368 = tpu.vector_load %arg7[%get3A_366, %get3A_367] {strides = array<i32>} : memref<256x128xf32, #tpu.memory_space<vmem>>, vector<1x16xf32>,
      %get3A_369 = vector.shape_cast %get3A_368 : vector<1x16xf32> to vector<16xf32>
      %mul3A_370 = arith.constant 11.3137083 : f32
      %mul3A_371 = vector.broadcast %mul3A_370 : f32 to vector<16xf32>
      %mul3A_372 = arith.mulf %get3A_369, %mul3A_371 : vector<16xf32>
      %get3A_373 = arith.index_cast %add3A_350 : i32 to index
      %get3A_374 = arith.constant 16 : index
      %get3A_375 = tpu.vector_load %arg8[%get3A_373, %get3A_374] {strides = array<i32>} : memref<256x128xf32, #tpu.memory_space<vmem>>, vector<1x16xf32>,
      %get3A_376 = vector.shape_cast %get3A_375 : vector<1x16xf32> to vector<16xf32>
      %add3A_377 = arith.addf %mul3A_372, %get3A_376 : vector<16xf32>
      %swap3A_378 = arith.index_cast %add3A_350 : i32 to index
      %swap3A_379 = arith.constant 16 : index
      %swap3A_380 = tpu.vector_load %arg7[%swap3A_378, %swap3A_379] {strides = array<i32>} : memref<256x128xf32, #tpu.memory_space<vmem>>, vector<1x16xf32>,
      %swap3A_381 = vector.shape_cast %swap3A_380 : vector<1x16xf32> to vector<16xf32>
      %swap3A_382 = vector.shape_cast %add3A_377 : vector<16xf32> to vector<1x16xf32>
      tpu.vector_store %arg7[%swap3A_378, %swap3A_379], %swap3A_382 {strides = array<i32>} : memref<256x128xf32, #tpu.memory_space<vmem>>, vector<1x16xf32>,
      %get3A_383 = arith.index_cast %add3A_350 : i32 to index
      %get3A_384 = arith.constant 32 : index
      %get3A_385 = tpu.vector_load %arg7[%get3A_383, %get3A_384] {strides = array<i32>} : memref<256x128xf32, #tpu.memory_space<vmem>>, vector<1x16xf32>,
      %get3A_386 = vector.shape_cast %get3A_385 : vector<1x16xf32> to vector<16xf32>
      %mul3A_387 = arith.constant 11.3137083 : f32
      %mul3A_388 = vector.broadcast %mul3A_387 : f32 to vector<16xf32>
      %mul3A_389 = arith.mulf %get3A_386, %mul3A_388 : vector<16xf32>
      %get3A_390 = arith.index_cast %add3A_350 : i32 to index
      %get3A_391 = arith.constant 32 : index
      %get3A_392 = tpu.vector_load %arg8[%get3A_390, %get3A_391] {strides = array<i32>} : memref<256x128xf32, #tpu.memory_space<vmem>>, vector<1x16xf32>,
      %get3A_393 = vector.shape_cast %get3A_392 : vector<1x16xf32> to vector<16xf32>
      %add3A_394 = arith.addf %mul3A_389, %get3A_393 : vector<16xf32>
      %swap3A_395 = arith.index_cast %add3A_350 : i32 to index
      %swap3A_396 = arith.constant 32 : index
      %swap3A_397 = tpu.vector_load %arg7[%swap3A_395, %swap3A_396] {strides = array<i32>} : memref<256x128xf32, #tpu.memory_space<vmem>>, vector<1x16xf32>,
      %swap3A_398 = vector.shape_cast %swap3A_397 : vector<1x16xf32> to vector<16xf32>
      %swap3A_399 = vector.shape_cast %add3A_394 : vector<16xf32> to vector<1x16xf32>
      tpu.vector_store %arg7[%swap3A_395, %swap3A_396], %swap3A_399 {strides = array<i32>} : memref<256x128xf32, #tpu.memory_space<vmem>>, vector<1x16xf32>,
      %get3A_400 = arith.index_cast %add3A_350 : i32 to index
      %get3A_401 = arith.constant 48 : index
      %get3A_402 = tpu.vector_load %arg7[%get3A_400, %get3A_401] {strides = array<i32>} : memref<256x128xf32, #tpu.memory_space<vmem>>, vector<1x16xf32>,
      %get3A_403 = vector.shape_cast %get3A_402 : vector<1x16xf32> to vector<16xf32>
      %mul3A_404 = arith.constant 11.3137083 : f32
      %mul3A_405 = vector.broadcast %mul3A_404 : f32 to vector<16xf32>
      %mul3A_406 = arith.mulf %get3A_403, %mul3A_405 : vector<16xf32>
      %get3A_407 = arith.index_cast %add3A_350 : i32 to index
      %get3A_408 = arith.constant 48 : index
      %get3A_409 = tpu.vector_load %arg8[%get3A_407, %get3A_408] {strides = array<i32>} : memref<256x128xf32, #tpu.memory_space<vmem>>, vector<1x16xf32>,
      %get3A_410 = vector.shape_cast %get3A_409 : vector<1x16xf32> to vector<16xf32>
      %add3A_411 = arith.addf %mul3A_406, %get3A_410 : vector<16xf32>
      %swap3A_412 = arith.index_cast %add3A_350 : i32 to index
      %swap3A_413 = arith.constant 48 : index
      %swap3A_414 = tpu.vector_load %arg7[%swap3A_412, %swap3A_413] {strides = array<i32>} : memref<256x128xf32, #tpu.memory_space<vmem>>, vector<1x16xf32>,
      %swap3A_415 = vector.shape_cast %swap3A_414 : vector<1x16xf32> to vector<16xf32>
      %swap3A_416 = vector.shape_cast %add3A_411 : vector<16xf32> to vector<1x16xf32>
      tpu.vector_store %arg7[%swap3A_412, %swap3A_413], %swap3A_416 {strides = array<i32>} : memref<256x128xf32, #tpu.memory_space<vmem>>, vector<1x16xf32>,
      %get3A_417 = arith.index_cast %add3A_350 : i32 to index
      %get3A_418 = arith.constant 64 : index
      %get3A_419 = tpu.vector_load %arg7[%get3A_417, %get3A_418] {strides = array<i32>} : memref<256x128xf32, #tpu.memory_space<vmem>>, vector<1x16xf32>,
      %get3A_420 = vector.shape_cast %get3A_419 : vector<1x16xf32> to vector<16xf32>
      %mul3A_421 = arith.constant 11.3137083 : f32
      %mul3A_422 = vector.broadcast %mul3A_421 : f32 to vector<16xf32>
      %mul3A_423 = arith.mulf %get3A_420, %mul3A_422 : vector<16xf32>
      %get3A_424 = arith.index_cast %add3A_350 : i32 to index
      %get3A_425 = arith.constant 64 : index
      %get3A_426 = tpu.vector_load %arg8[%get3A_424, %get3A_425] {strides = array<i32>} : memref<256x128xf32, #tpu.memory_space<vmem>>, vector<1x16xf32>,
      %get3A_427 = vector.shape_cast %get3A_426 : vector<1x16xf32> to vector<16xf32>
      %add3A_428 = arith.addf %mul3A_423, %get3A_427 : vector<16xf32>
      %swap3A_429 = arith.index_cast %add3A_350 : i32 to index
      %swap3A_430 = arith.constant 64 : index
      %swap3A_431 = tpu.vector_load %arg7[%swap3A_429, %swap3A_430] {strides = array<i32>} : memref<256x128xf32, #tpu.memory_space<vmem>>, vector<1x16xf32>,
      %swap3A_432 = vector.shape_cast %swap3A_431 : vector<1x16xf32> to vector<16xf32>
      %swap3A_433 = vector.shape_cast %add3A_428 : vector<16xf32> to vector<1x16xf32>
      tpu.vector_store %arg7[%swap3A_429, %swap3A_430], %swap3A_433 {strides = array<i32>} : memref<256x128xf32, #tpu.memory_space<vmem>>, vector<1x16xf32>,
      %get3A_434 = arith.index_cast %add3A_350 : i32 to index
      %get3A_435 = arith.constant 80 : index
      %get3A_436 = tpu.vector_load %arg7[%get3A_434, %get3A_435] {strides = array<i32>} : memref<256x128xf32, #tpu.memory_space<vmem>>, vector<1x16xf32>,
      %get3A_437 = vector.shape_cast %get3A_436 : vector<1x16xf32> to vector<16xf32>
      %mul3A_438 = arith.constant 11.3137083 : f32
      %mul3A_439 = vector.broadcast %mul3A_438 : f32 to vector<16xf32>
      %mul3A_440 = arith.mulf %get3A_437, %mul3A_439 : vector<16xf32>
      %get3A_441 = arith.index_cast %add3A_350 : i32 to index
      %get3A_442 = arith.constant 80 : index
      %get3A_443 = tpu.vector_load %arg8[%get3A_441, %get3A_442] {strides = array<i32>} : memref<256x128xf32, #tpu.memory_space<vmem>>, vector<1x16xf32>,
      %get3A_444 = vector.shape_cast %get3A_443 : vector<1x16xf32> to vector<16xf32>
      %add3A_445 = arith.addf %mul3A_440, %get3A_444 : vector<16xf32>
      %swap3A_446 = arith.index_cast %add3A_350 : i32 to index
      %swap3A_447 = arith.constant 80 : index
      %swap3A_448 = tpu.vector_load %arg7[%swap3A_446, %swap3A_447] {strides = array<i32>} : memref<256x128xf32, #tpu.memory_space<vmem>>, vector<1x16xf32>,
      %swap3A_449 = vector.shape_cast %swap3A_448 : vector<1x16xf32> to vector<16xf32>
      %swap3A_450 = vector.shape_cast %add3A_445 : vector<16xf32> to vector<1x16xf32>
      tpu.vector_store %arg7[%swap3A_446, %swap3A_447], %swap3A_450 {strides = array<i32>} : memref<256x128xf32, #tpu.memory_space<vmem>>, vector<1x16xf32>,
      %get3A_451 = arith.index_cast %add3A_350 : i32 to index
      %get3A_452 = arith.constant 96 : index
      %get3A_453 = tpu.vector_load %arg7[%get3A_451, %get3A_452] {strides = array<i32>} : memref<256x128xf32, #tpu.memory_space<vmem>>, vector<1x16xf32>,
      %get3A_454 = vector.shape_cast %get3A_453 : vector<1x16xf32> to vector<16xf32>
      %mul3A_455 = arith.constant 11.3137083 : f32
      %mul3A_456 = vector.broadcast %mul3A_455 : f32 to vector<16xf32>
      %mul3A_457 = arith.mulf %get3A_454, %mul3A_456 : vector<16xf32>
      %get3A_458 = arith.index_cast %add3A_350 : i32 to index
      %get3A_459 = arith.constant 96 : index
      %get3A_460 = tpu.vector_load %arg8[%get3A_458, %get3A_459] {strides = array<i32>} : memref<256x128xf32, #tpu.memory_space<vmem>>, vector<1x16xf32>,
      %get3A_461 = vector.shape_cast %get3A_460 : vector<1x16xf32> to vector<16xf32>
      %add3A_462 = arith.addf %mul3A_457, %get3A_461 : vector<16xf32>
      %swap3A_463 = arith.index_cast %add3A_350 : i32 to index
      %swap3A_464 = arith.constant 96 : index
      %swap3A_465 = tpu.vector_load %arg7[%swap3A_463, %swap3A_464] {strides = array<i32>} : memref<256x128xf32, #tpu.memory_space<vmem>>, vector<1x16xf32>,
      %swap3A_466 = vector.shape_cast %swap3A_465 : vector<1x16xf32> to vector<16xf32>
      %swap3A_467 = vector.shape_cast %add3A_462 : vector<16xf32> to vector<1x16xf32>
      tpu.vector_store %arg7[%swap3A_463, %swap3A_464], %swap3A_467 {strides = array<i32>} : memref<256x128xf32, #tpu.memory_space<vmem>>, vector<1x16xf32>,
      %get3A_468 = arith.index_cast %add3A_350 : i32 to index
      %get3A_469 = arith.constant 112 : index
      %get3A_470 = tpu.vector_load %arg7[%get3A_468, %get3A_469] {strides = array<i32>} : memref<256x128xf32, #tpu.memory_space<vmem>>, vector<1x16xf32>,
      %get3A_471 = vector.shape_cast %get3A_470 : vector<1x16xf32> to vector<16xf32>
      %mul3A_472 = arith.constant 11.3137083 : f32
      %mul3A_473 = vector.broadcast %mul3A_472 : f32 to vector<16xf32>
      %mul3A_474 = arith.mulf %get3A_471, %mul3A_473 : vector<16xf32>
      %get3A_475 = arith.index_cast %add3A_350 : i32 to index
      %get3A_476 = arith.constant 112 : index
      %get3A_477 = tpu.vector_load %arg8[%get3A_475, %get3A_476] {strides = array<i32>} : memref<256x128xf32, #tpu.memory_space<vmem>>, vector<1x16xf32>,
      %get3A_478 = vector.shape_cast %get3A_477 : vector<1x16xf32> to vector<16xf32>
      %add3A_479 = arith.addf %mul3A_474, %get3A_478 : vector<16xf32>
      %swap3A_480 = arith.index_cast %add3A_350 : i32 to index
      %swap3A_481 = arith.constant 112 : index
      %swap3A_482 = tpu.vector_load %arg7[%swap3A_480, %swap3A_481] {strides = array<i32>} : memref<256x128xf32, #tpu.memory_space<vmem>>, vector<1x16xf32>,
      %swap3A_483 = vector.shape_cast %swap3A_482 : vector<1x16xf32> to vector<16xf32>
      %swap3A_484 = vector.shape_cast %add3A_479 : vector<16xf32> to vector<1x16xf32>
      tpu.vector_store %arg7[%swap3A_480, %swap3A_481], %swap3A_484 {strides = array<i32>} : memref<256x128xf32, #tpu.memory_space<vmem>>, vector<1x16xf32>,
    }
    %scan3A_249 = arith.constant 80 : i32
    %add3A_250 = arith.constant 96 : i32
    %add3A_251 = arith.addi %mul3A_2, %add3A_250 : i32
    %dma_start3A_252 = arith.constant 96 : i32
    %dma_start3A_253 = arith.constant 0 : i32
    %dma_start3A_254 = tpu.memref_slice %arg7[%dma_start3A_252, %dma_start3A_253] : memref<256x128xf32, #tpu.memory_space<vmem>> -> memref<80x128xf32, #tpu.memory_space<vmem>>
    %dma_start3A_255 = arith.constant 0 : i32
    %dma_start3A_256 = tpu.memref_slice %arg5[%add3A_251, %dma_start3A_255] : memref<8192x128xf32, #tpu.memory_space<hbm>> -> memref<80x128xf32, #tpu.memory_space<hbm>>
    %dma_start3A_257 = arith.constant 0 : i32
    %dma_start3A_258 = tpu.memref_slice %arg5[%add3A_251, %dma_start3A_257] : memref<8192x128xf32, #tpu.memory_space<hbm>> -> memref<80x128xf32, #tpu.memory_space<hbm>>
    %dma_start3A_259 = arith.constant 96 : i32
    %dma_start3A_260 = arith.constant 0 : i32
    %dma_start3A_261 = tpu.memref_slice %arg7[%dma_start3A_259, %dma_start3A_260] : memref<256x128xf32, #tpu.memory_space<vmem>> -> memref<80x128xf32, #tpu.memory_space<vmem>>
    tpu.enqueue_dma source(%dma_start3A_261 : memref<80x128xf32, #tpu.memory_space<vmem>>) target(%dma_start3A_258 : memref<80x128xf32, #tpu.memory_space<hbm>>) target_semaphore(%arg17 : memref<!tpu.dma_semaphore, #tpu.memory_space<semaphore_mem>>)
    %dma_wait3A_262 = arith.constant 176 : i32
    %dma_wait3A_263 = arith.constant 0 : i32
    %dma_wait3A_264 = tpu.memref_slice %arg7[%dma_wait3A_262, %dma_wait3A_263] : memref<256x128xf32, #tpu.memory_space<vmem>> -> memref<80x128xf32, #tpu.memory_space<vmem>>
    %dma_wait3A_265 = arith.constant 176 : i32
    %dma_wait3A_266 = tpu.memref_slice %arg6[%dma_wait3A_265] : memref<256xi32, #tpu.memory_space<vmem>> -> memref<80xi32, #tpu.memory_space<vmem>>
    %dma_wait3A_267 = arith.constant 0 : i32
    %dma_wait3A_268 = arith.constant 0 : i32
    %dma_wait3A_269 = tpu.memref_slice %arg3[%dma_wait3A_267, %dma_wait3A_268] : memref<1000000x128xf32, #tpu.memory_space<hbm>> -> memref<1000000x128xf32, #tpu.memory_space<hbm>>
    tpu.wait_indirect_dma semaphore(%arg13 : memref<!tpu.dma_semaphore, #tpu.memory_space<semaphore_mem>>) src(%dma_wait3A_269 : memref<1000000x128xf32, #tpu.memory_space<hbm>>) dst(%dma_wait3A_264 : memref<80x128xf32, #tpu.memory_space<vmem>>)
    %dma_wait3A_270 = arith.constant 176 : i32
    %dma_wait3A_271 = arith.constant 0 : i32
    %dma_wait3A_272 = tpu.memref_slice %arg8[%dma_wait3A_270, %dma_wait3A_271] : memref<256x128xf32, #tpu.memory_space<vmem>> -> memref<80x128xf32, #tpu.memory_space<vmem>>
    %dma_wait3A_273 = arith.constant 0 : i32
    %dma_wait3A_274 = tpu.memref_slice %arg4[%add3A_69, %dma_wait3A_273] : memref<2048x128xf32, #tpu.memory_space<hbm>> -> memref<80x128xf32, #tpu.memory_space<hbm>>
    %dma_wait3A_275 = arith.constant 176 : i32
    %dma_wait3A_276 = arith.constant 0 : i32
    %dma_wait3A_277 = tpu.memref_slice %arg8[%dma_wait3A_275, %dma_wait3A_276] : memref<256x128xf32, #tpu.memory_space<vmem>> -> memref<80x128xf32, #tpu.memory_space<vmem>>
    %dma_wait3A_278 = arith.constant 0 : i32
    %dma_wait3A_279 = tpu.memref_slice %arg4[%add3A_69, %dma_wait3A_278] : memref<2048x128xf32, #tpu.memory_space<hbm>> -> memref<80x128xf32, #tpu.memory_space<hbm>>
    tpu.wait_dma2 semaphore(%arg23 : memref<!tpu.dma_semaphore, #tpu.memory_space<semaphore_mem>>) src(%dma_wait3A_279 : memref<80x128xf32, #tpu.memory_space<hbm>>) dst(%dma_wait3A_277 : memref<80x128xf32, #tpu.memory_space<vmem>>)
    %scan3A_280 = arith.constant 0 : i32
    %scan3A_281 = arith.constant 0 : i32
    %scan3A_282 = arith.constant 80 : i32
    %scan3A_283 = arith.addi %scan3A_281, %scan3A_282 : i32
    %scan3A_284 = arith.constant 1 : i32
    scf.for %scan3A_348 = %scan3A_281 to %scan3A_283 step %scan3A_284  : i32 {
      %add3A_349 = arith.constant 176 : i32
      %add3A_350 = arith.addi %add3A_349, %scan3A_348 : i32
      %get3A = arith.index_cast %add3A_350 : i32 to index
      %get3A_351 = arith.constant 0 : index
      %get3A_352 = tpu.vector_load %arg7[%get3A, %get3A_351] {strides = array<i32>} : memref<256x128xf32, #tpu.memory_space<vmem>>, vector<1x16xf32>,
      %get3A_353 = vector.shape_cast %get3A_352 : vector<1x16xf32> to vector<16xf32>
      %mul3A_354 = arith.constant 11.3137083 : f32
      %mul3A_355 = vector.broadcast %mul3A_354 : f32 to vector<16xf32>
      %mul3A_356 = arith.mulf %get3A_353, %mul3A_355 : vector<16xf32>
      %get3A_357 = arith.index_cast %add3A_350 : i32 to index
      %get3A_358 = arith.constant 0 : index
      %get3A_359 = tpu.vector_load %arg8[%get3A_357, %get3A_358] {strides = array<i32>} : memref<256x128xf32, #tpu.memory_space<vmem>>, vector<1x16xf32>,
      %get3A_360 = vector.shape_cast %get3A_359 : vector<1x16xf32> to vector<16xf32>
      %add3A_361 = arith.addf %mul3A_356, %get3A_360 : vector<16xf32>
      %swap3A = arith.index_cast %add3A_350 : i32 to index
      %swap3A_362 = arith.constant 0 : index
      %swap3A_363 = tpu.vector_load %arg7[%swap3A, %swap3A_362] {strides = array<i32>} : memref<256x128xf32, #tpu.memory_space<vmem>>, vector<1x16xf32>,
      %swap3A_364 = vector.shape_cast %swap3A_363 : vector<1x16xf32> to vector<16xf32>
      %swap3A_365 = vector.shape_cast %add3A_361 : vector<16xf32> to vector<1x16xf32>
      tpu.vector_store %arg7[%swap3A, %swap3A_362], %swap3A_365 {strides = array<i32>} : memref<256x128xf32, #tpu.memory_space<vmem>>, vector<1x16xf32>,
      %get3A_366 = arith.index_cast %add3A_350 : i32 to index
      %get3A_367 = arith.constant 16 : index
      %get3A_368 = tpu.vector_load %arg7[%get3A_366, %get3A_367] {strides = array<i32>} : memref<256x128xf32, #tpu.memory_space<vmem>>, vector<1x16xf32>,
      %get3A_369 = vector.shape_cast %get3A_368 : vector<1x16xf32> to vector<16xf32>
      %mul3A_370 = arith.constant 11.3137083 : f32
      %mul3A_371 = vector.broadcast %mul3A_370 : f32 to vector<16xf32>
      %mul3A_372 = arith.mulf %get3A_369, %mul3A_371 : vector<16xf32>
      %get3A_373 = arith.index_cast %add3A_350 : i32 to index
      %get3A_374 = arith.constant 16 : index
      %get3A_375 = tpu.vector_load %arg8[%get3A_373, %get3A_374] {strides = array<i32>} : memref<256x128xf32, #tpu.memory_space<vmem>>, vector<1x16xf32>,
      %get3A_376 = vector.shape_cast %get3A_375 : vector<1x16xf32> to vector<16xf32>
      %add3A_377 = arith.addf %mul3A_372, %get3A_376 : vector<16xf32>
      %swap3A_378 = arith.index_cast %add3A_350 : i32 to index
      %swap3A_379 = arith.constant 16 : index
      %swap3A_380 = tpu.vector_load %arg7[%swap3A_378, %swap3A_379] {strides = array<i32>} : memref<256x128xf32, #tpu.memory_space<vmem>>, vector<1x16xf32>,
      %swap3A_381 = vector.shape_cast %swap3A_380 : vector<1x16xf32> to vector<16xf32>
      %swap3A_382 = vector.shape_cast %add3A_377 : vector<16xf32> to vector<1x16xf32>
      tpu.vector_store %arg7[%swap3A_378, %swap3A_379], %swap3A_382 {strides = array<i32>} : memref<256x128xf32, #tpu.memory_space<vmem>>, vector<1x16xf32>,
      %get3A_383 = arith.index_cast %add3A_350 : i32 to index
      %get3A_384 = arith.constant 32 : index
      %get3A_385 = tpu.vector_load %arg7[%get3A_383, %get3A_384] {strides = array<i32>} : memref<256x128xf32, #tpu.memory_space<vmem>>, vector<1x16xf32>,
      %get3A_386 = vector.shape_cast %get3A_385 : vector<1x16xf32> to vector<16xf32>
      %mul3A_387 = arith.constant 11.3137083 : f32
      %mul3A_388 = vector.broadcast %mul3A_387 : f32 to vector<16xf32>
      %mul3A_389 = arith.mulf %get3A_386, %mul3A_388 : vector<16xf32>
      %get3A_390 = arith.index_cast %add3A_350 : i32 to index
      %get3A_391 = arith.constant 32 : index
      %get3A_392 = tpu.vector_load %arg8[%get3A_390, %get3A_391] {strides = array<i32>} : memref<256x128xf32, #tpu.memory_space<vmem>>, vector<1x16xf32>,
      %get3A_393 = vector.shape_cast %get3A_392 : vector<1x16xf32> to vector<16xf32>
      %add3A_394 = arith.addf %mul3A_389, %get3A_393 : vector<16xf32>
      %swap3A_395 = arith.index_cast %add3A_350 : i32 to index
      %swap3A_396 = arith.constant 32 : index
      %swap3A_397 = tpu.vector_load %arg7[%swap3A_395, %swap3A_396] {strides = array<i32>} : memref<256x128xf32, #tpu.memory_space<vmem>>, vector<1x16xf32>,
      %swap3A_398 = vector.shape_cast %swap3A_397 : vector<1x16xf32> to vector<16xf32>
      %swap3A_399 = vector.shape_cast %add3A_394 : vector<16xf32> to vector<1x16xf32>
      tpu.vector_store %arg7[%swap3A_395, %swap3A_396], %swap3A_399 {strides = array<i32>} : memref<256x128xf32, #tpu.memory_space<vmem>>, vector<1x16xf32>,
      %get3A_400 = arith.index_cast %add3A_350 : i32 to index
      %get3A_401 = arith.constant 48 : index
      %get3A_402 = tpu.vector_load %arg7[%get3A_400, %get3A_401] {strides = array<i32>} : memref<256x128xf32, #tpu.memory_space<vmem>>, vector<1x16xf32>,
      %get3A_403 = vector.shape_cast %get3A_402 : vector<1x16xf32> to vector<16xf32>
      %mul3A_404 = arith.constant 11.3137083 : f32
      %mul3A_405 = vector.broadcast %mul3A_404 : f32 to vector<16xf32>
      %mul3A_406 = arith.mulf %get3A_403, %mul3A_405 : vector<16xf32>
      %get3A_407 = arith.index_cast %add3A_350 : i32 to index
      %get3A_408 = arith.constant 48 : index
      %get3A_409 = tpu.vector_load %arg8[%get3A_407, %get3A_408] {strides = array<i32>} : memref<256x128xf32, #tpu.memory_space<vmem>>, vector<1x16xf32>,
      %get3A_410 = vector.shape_cast %get3A_409 : vector<1x16xf32> to vector<16xf32>
      %add3A_411 = arith.addf %mul3A_406, %get3A_410 : vector<16xf32>
      %swap3A_412 = arith.index_cast %add3A_350 : i32 to index
      %swap3A_413 = arith.constant 48 : index
      %swap3A_414 = tpu.vector_load %arg7[%swap3A_412, %swap3A_413] {strides = array<i32>} : memref<256x128xf32, #tpu.memory_space<vmem>>, vector<1x16xf32>,
      %swap3A_415 = vector.shape_cast %swap3A_414 : vector<1x16xf32> to vector<16xf32>
      %swap3A_416 = vector.shape_cast %add3A_411 : vector<16xf32> to vector<1x16xf32>
      tpu.vector_store %arg7[%swap3A_412, %swap3A_413], %swap3A_416 {strides = array<i32>} : memref<256x128xf32, #tpu.memory_space<vmem>>, vector<1x16xf32>,
      %get3A_417 = arith.index_cast %add3A_350 : i32 to index
      %get3A_418 = arith.constant 64 : index
      %get3A_419 = tpu.vector_load %arg7[%get3A_417, %get3A_418] {strides = array<i32>} : memref<256x128xf32, #tpu.memory_space<vmem>>, vector<1x16xf32>,
      %get3A_420 = vector.shape_cast %get3A_419 : vector<1x16xf32> to vector<16xf32>
      %mul3A_421 = arith.constant 11.3137083 : f32
      %mul3A_422 = vector.broadcast %mul3A_421 : f32 to vector<16xf32>
      %mul3A_423 = arith.mulf %get3A_420, %mul3A_422 : vector<16xf32>
      %get3A_424 = arith.index_cast %add3A_350 : i32 to index
      %get3A_425 = arith.constant 64 : index
      %get3A_426 = tpu.vector_load %arg8[%get3A_424, %get3A_425] {strides = array<i32>} : memref<256x128xf32, #tpu.memory_space<vmem>>, vector<1x16xf32>,
      %get3A_427 = vector.shape_cast %get3A_426 : vector<1x16xf32> to vector<16xf32>
      %add3A_428 = arith.addf %mul3A_423, %get3A_427 : vector<16xf32>
      %swap3A_429 = arith.index_cast %add3A_350 : i32 to index
      %swap3A_430 = arith.constant 64 : index
      %swap3A_431 = tpu.vector_load %arg7[%swap3A_429, %swap3A_430] {strides = array<i32>} : memref<256x128xf32, #tpu.memory_space<vmem>>, vector<1x16xf32>,
      %swap3A_432 = vector.shape_cast %swap3A_431 : vector<1x16xf32> to vector<16xf32>
      %swap3A_433 = vector.shape_cast %add3A_428 : vector<16xf32> to vector<1x16xf32>
      tpu.vector_store %arg7[%swap3A_429, %swap3A_430], %swap3A_433 {strides = array<i32>} : memref<256x128xf32, #tpu.memory_space<vmem>>, vector<1x16xf32>,
      %get3A_434 = arith.index_cast %add3A_350 : i32 to index
      %get3A_435 = arith.constant 80 : index
      %get3A_436 = tpu.vector_load %arg7[%get3A_434, %get3A_435] {strides = array<i32>} : memref<256x128xf32, #tpu.memory_space<vmem>>, vector<1x16xf32>,
      %get3A_437 = vector.shape_cast %get3A_436 : vector<1x16xf32> to vector<16xf32>
      %mul3A_438 = arith.constant 11.3137083 : f32
      %mul3A_439 = vector.broadcast %mul3A_438 : f32 to vector<16xf32>
      %mul3A_440 = arith.mulf %get3A_437, %mul3A_439 : vector<16xf32>
      %get3A_441 = arith.index_cast %add3A_350 : i32 to index
      %get3A_442 = arith.constant 80 : index
      %get3A_443 = tpu.vector_load %arg8[%get3A_441, %get3A_442] {strides = array<i32>} : memref<256x128xf32, #tpu.memory_space<vmem>>, vector<1x16xf32>,
      %get3A_444 = vector.shape_cast %get3A_443 : vector<1x16xf32> to vector<16xf32>
      %add3A_445 = arith.addf %mul3A_440, %get3A_444 : vector<16xf32>
      %swap3A_446 = arith.index_cast %add3A_350 : i32 to index
      %swap3A_447 = arith.constant 80 : index
      %swap3A_448 = tpu.vector_load %arg7[%swap3A_446, %swap3A_447] {strides = array<i32>} : memref<256x128xf32, #tpu.memory_space<vmem>>, vector<1x16xf32>,
      %swap3A_449 = vector.shape_cast %swap3A_448 : vector<1x16xf32> to vector<16xf32>
      %swap3A_450 = vector.shape_cast %add3A_445 : vector<16xf32> to vector<1x16xf32>
      tpu.vector_store %arg7[%swap3A_446, %swap3A_447], %swap3A_450 {strides = array<i32>} : memref<256x128xf32, #tpu.memory_space<vmem>>, vector<1x16xf32>,
      %get3A_451 = arith.index_cast %add3A_350 : i32 to index
      %get3A_452 = arith.constant 96 : index
      %get3A_453 = tpu.vector_load %arg7[%get3A_451, %get3A_452] {strides = array<i32>} : memref<256x128xf32, #tpu.memory_space<vmem>>, vector<1x16xf32>,
      %get3A_454 = vector.shape_cast %get3A_453 : vector<1x16xf32> to vector<16xf32>
      %mul3A_455 = arith.constant 11.3137083 : f32
      %mul3A_456 = vector.broadcast %mul3A_455 : f32 to vector<16xf32>
      %mul3A_457 = arith.mulf %get3A_454, %mul3A_456 : vector<16xf32>
      %get3A_458 = arith.index_cast %add3A_350 : i32 to index
      %get3A_459 = arith.constant 96 : index
      %get3A_460 = tpu.vector_load %arg8[%get3A_458, %get3A_459] {strides = array<i32>} : memref<256x128xf32, #tpu.memory_space<vmem>>, vector<1x16xf32>,
      %get3A_461 = vector.shape_cast %get3A_460 : vector<1x16xf32> to vector<16xf32>
      %add3A_462 = arith.addf %mul3A_457, %get3A_461 : vector<16xf32>
      %swap3A_463 = arith.index_cast %add3A_350 : i32 to index
      %swap3A_464 = arith.constant 96 : index
      %swap3A_465 = tpu.vector_load %arg7[%swap3A_463, %swap3A_464] {strides = array<i32>} : memref<256x128xf32, #tpu.memory_space<vmem>>, vector<1x16xf32>,
      %swap3A_466 = vector.shape_cast %swap3A_465 : vector<1x16xf32> to vector<16xf32>
      %swap3A_467 = vector.shape_cast %add3A_462 : vector<16xf32> to vector<1x16xf32>
      tpu.vector_store %arg7[%swap3A_463, %swap3A_464], %swap3A_467 {strides = array<i32>} : memref<256x128xf32, #tpu.memory_space<vmem>>, vector<1x16xf32>,
      %get3A_468 = arith.index_cast %add3A_350 : i32 to index
      %get3A_469 = arith.constant 112 : index
      %get3A_470 = tpu.vector_load %arg7[%get3A_468, %get3A_469] {strides = array<i32>} : memref<256x128xf32, #tpu.memory_space<vmem>>, vector<1x16xf32>,
      %get3A_471 = vector.shape_cast %get3A_470 : vector<1x16xf32> to vector<16xf32>
      %mul3A_472 = arith.constant 11.3137083 : f32
      %mul3A_473 = vector.broadcast %mul3A_472 : f32 to vector<16xf32>
      %mul3A_474 = arith.mulf %get3A_471, %mul3A_473 : vector<16xf32>
      %get3A_475 = arith.index_cast %add3A_350 : i32 to index
      %get3A_476 = arith.constant 112 : index
      %get3A_477 = tpu.vector_load %arg8[%get3A_475, %get3A_476] {strides = array<i32>} : memref<256x128xf32, #tpu.memory_space<vmem>>, vector<1x16xf32>,
      %get3A_478 = vector.shape_cast %get3A_477 : vector<1x16xf32> to vector<16xf32>
      %add3A_479 = arith.addf %mul3A_474, %get3A_478 : vector<16xf32>
      %swap3A_480 = arith.index_cast %add3A_350 : i32 to index
      %swap3A_481 = arith.constant 112 : index
      %swap3A_482 = tpu.vector_load %arg7[%swap3A_480, %swap3A_481] {strides = array<i32>} : memref<256x128xf32, #tpu.memory_space<vmem>>, vector<1x16xf32>,
      %swap3A_483 = vector.shape_cast %swap3A_482 : vector<1x16xf32> to vector<16xf32>
      %swap3A_484 = vector.shape_cast %add3A_479 : vector<16xf32> to vector<1x16xf32>
      tpu.vector_store %arg7[%swap3A_480, %swap3A_481], %swap3A_484 {strides = array<i32>} : memref<256x128xf32, #tpu.memory_space<vmem>>, vector<1x16xf32>,
    }
    %scan3A_285 = arith.constant 80 : i32
    %add3A_286 = arith.constant 176 : i32
    %add3A_287 = arith.addi %mul3A_2, %add3A_286 : i32
    %dma_start3A_288 = arith.constant 176 : i32
    %dma_start3A_289 = arith.constant 0 : i32
    %dma_start3A_290 = tpu.memref_slice %arg7[%dma_start3A_288, %dma_start3A_289] : memref<256x128xf32, #tpu.memory_space<vmem>> -> memref<80x128xf32, #tpu.memory_space<vmem>>
    %dma_start3A_291 = arith.constant 0 : i32
    %dma_start3A_292 = tpu.memref_slice %arg5[%add3A_287, %dma_start3A_291] : memref<8192x128xf32, #tpu.memory_space<hbm>> -> memref<80x128xf32, #tpu.memory_space<hbm>>
    %dma_start3A_293 = arith.constant 0 : i32
    %dma_start3A_294 = tpu.memref_slice %arg5[%add3A_287, %dma_start3A_293] : memref<8192x128xf32, #tpu.memory_space<hbm>> -> memref<80x128xf32, #tpu.memory_space<hbm>>
    %dma_start3A_295 = arith.constant 176 : i32
    %dma_start3A_296 = arith.constant 0 : i32
    %dma_start3A_297 = tpu.memref_slice %arg7[%dma_start3A_295, %dma_start3A_296] : memref<256x128xf32, #tpu.memory_space<vmem>> -> memref<80x128xf32, #tpu.memory_space<vmem>>
    tpu.enqueue_dma source(%dma_start3A_297 : memref<80x128xf32, #tpu.memory_space<vmem>>) target(%dma_start3A_294 : memref<80x128xf32, #tpu.memory_space<hbm>>) target_semaphore(%arg18 : memref<!tpu.dma_semaphore, #tpu.memory_space<semaphore_mem>>)
    %dma_wait3A_298 = arith.constant 0 : i32
    %dma_wait3A_299 = arith.constant 0 : i32
    %dma_wait3A_300 = tpu.memref_slice %arg7[%dma_wait3A_298, %dma_wait3A_299] : memref<256x128xf32, #tpu.memory_space<vmem>> -> memref<16x128xf32, #tpu.memory_space<vmem>>
    %dma_wait3A_301 = arith.constant 0 : i32
    %dma_wait3A_302 = tpu.memref_slice %arg5[%add3A_143, %dma_wait3A_301] : memref<8192x128xf32, #tpu.memory_space<hbm>> -> memref<16x128xf32, #tpu.memory_space<hbm>>
    %dma_wait3A_303 = arith.constant 0 : i32
    %dma_wait3A_304 = tpu.memref_slice %arg5[%add3A_143, %dma_wait3A_303] : memref<8192x128xf32, #tpu.memory_space<hbm>> -> memref<16x128xf32, #tpu.memory_space<hbm>>
    %dma_wait3A_305 = arith.constant 0 : i32
    %dma_wait3A_306 = arith.constant 0 : i32
    %dma_wait3A_307 = tpu.memref_slice %arg7[%dma_wait3A_305, %dma_wait3A_306] : memref<256x128xf32, #tpu.memory_space<vmem>> -> memref<16x128xf32, #tpu.memory_space<vmem>>
    tpu.wait_dma2 semaphore(%arg14 : memref<!tpu.dma_semaphore, #tpu.memory_space<semaphore_mem>>) src(%dma_wait3A_307 : memref<16x128xf32, #tpu.memory_space<vmem>>) dst(%dma_wait3A_304 : memref<16x128xf32, #tpu.memory_space<hbm>>)
    %dma_wait3A_308 = arith.constant 16 : i32
    %dma_wait3A_309 = arith.constant 0 : i32
    %dma_wait3A_310 = tpu.memref_slice %arg7[%dma_wait3A_308, %dma_wait3A_309] : memref<256x128xf32, #tpu.memory_space<vmem>> -> memref<32x128xf32, #tpu.memory_space<vmem>>
    %dma_wait3A_311 = arith.constant 0 : i32
    %dma_wait3A_312 = tpu.memref_slice %arg5[%add3A_179, %dma_wait3A_311] : memref<8192x128xf32, #tpu.memory_space<hbm>> -> memref<32x128xf32, #tpu.memory_space<hbm>>
    %dma_wait3A_313 = arith.constant 0 : i32
    %dma_wait3A_314 = tpu.memref_slice %arg5[%add3A_179, %dma_wait3A_313] : memref<8192x128xf32, #tpu.memory_space<hbm>> -> memref<32x128xf32, #tpu.memory_space<hbm>>
    %dma_wait3A_315 = arith.constant 16 : i32
    %dma_wait3A_316 = arith.constant 0 : i32
    %dma_wait3A_317 = tpu.memref_slice %arg7[%dma_wait3A_315, %dma_wait3A_316] : memref<256x128xf32, #tpu.memory_space<vmem>> -> memref<32x128xf32, #tpu.memory_space<vmem>>
    tpu.wait_dma2 semaphore(%arg15 : memref<!tpu.dma_semaphore, #tpu.memory_space<semaphore_mem>>) src(%dma_wait3A_317 : memref<32x128xf32, #tpu.memory_space<vmem>>) dst(%dma_wait3A_314 : memref<32x128xf32, #tpu.memory_space<hbm>>)
    %dma_wait3A_318 = arith.constant 48 : i32
    %dma_wait3A_319 = arith.constant 0 : i32
    %dma_wait3A_320 = tpu.memref_slice %arg7[%dma_wait3A_318, %dma_wait3A_319] : memref<256x128xf32, #tpu.memory_space<vmem>> -> memref<48x128xf32, #tpu.memory_space<vmem>>
    %dma_wait3A_321 = arith.constant 0 : i32
    %dma_wait3A_322 = tpu.memref_slice %arg5[%add3A_215, %dma_wait3A_321] : memref<8192x128xf32, #tpu.memory_space<hbm>> -> memref<48x128xf32, #tpu.memory_space<hbm>>
    %dma_wait3A_323 = arith.constant 0 : i32
    %dma_wait3A_324 = tpu.memref_slice %arg5[%add3A_215, %dma_wait3A_323] : memref<8192x128xf32, #tpu.memory_space<hbm>> -> memref<48x128xf32, #tpu.memory_space<hbm>>
    %dma_wait3A_325 = arith.constant 48 : i32
    %dma_wait3A_326 = arith.constant 0 : i32
    %dma_wait3A_327 = tpu.memref_slice %arg7[%dma_wait3A_325, %dma_wait3A_326] : memref<256x128xf32, #tpu.memory_space<vmem>> -> memref<48x128xf32, #tpu.memory_space<vmem>>
    tpu.wait_dma2 semaphore(%arg16 : memref<!tpu.dma_semaphore, #tpu.memory_space<semaphore_mem>>) src(%dma_wait3A_327 : memref<48x128xf32, #tpu.memory_space<vmem>>) dst(%dma_wait3A_324 : memref<48x128xf32, #tpu.memory_space<hbm>>)
    %dma_wait3A_328 = arith.constant 96 : i32
    %dma_wait3A_329 = arith.constant 0 : i32
    %dma_wait3A_330 = tpu.memref_slice %arg7[%dma_wait3A_328, %dma_wait3A_329] : memref<256x128xf32, #tpu.memory_space<vmem>> -> memref<80x128xf32, #tpu.memory_space<vmem>>
    %dma_wait3A_331 = arith.constant 0 : i32
    %dma_wait3A_332 = tpu.memref_slice %arg5[%add3A_251, %dma_wait3A_331] : memref<8192x128xf32, #tpu.memory_space<hbm>> -> memref<80x128xf32, #tpu.memory_space<hbm>>
    %dma_wait3A_333 = arith.constant 0 : i32
    %dma_wait3A_334 = tpu.memref_slice %arg5[%add3A_251, %dma_wait3A_333] : memref<8192x128xf32, #tpu.memory_space<hbm>> -> memref<80x128xf32, #tpu.memory_space<hbm>>
    %dma_wait3A_335 = arith.constant 96 : i32
    %dma_wait3A_336 = arith.constant 0 : i32
    %dma_wait3A_337 = tpu.memref_slice %arg7[%dma_wait3A_335, %dma_wait3A_336] : memref<256x128xf32, #tpu.memory_space<vmem>> -> memref<80x128xf32, #tpu.memory_space<vmem>>
    tpu.wait_dma2 semaphore(%arg17 : memref<!tpu.dma_semaphore, #tpu.memory_space<semaphore_mem>>) src(%dma_wait3A_337 : memref<80x128xf32, #tpu.memory_space<vmem>>) dst(%dma_wait3A_334 : memref<80x128xf32, #tpu.memory_space<hbm>>)
    %dma_wait3A_338 = arith.constant 176 : i32
    %dma_wait3A_339 = arith.constant 0 : i32
    %dma_wait3A_340 = tpu.memref_slice %arg7[%dma_wait3A_338, %dma_wait3A_339] : memref<256x128xf32, #tpu.memory_space<vmem>> -> memref<80x128xf32, #tpu.memory_space<vmem>>
    %dma_wait3A_341 = arith.constant 0 : i32
    %dma_wait3A_342 = tpu.memref_slice %arg5[%add3A_287, %dma_wait3A_341] : memref<8192x128xf32, #tpu.memory_space<hbm>> -> memref<80x128xf32, #tpu.memory_space<hbm>>
    %dma_wait3A_343 = arith.constant 0 : i32
    %dma_wait3A_344 = tpu.memref_slice %arg5[%add3A_287, %dma_wait3A_343] : memref<8192x128xf32, #tpu.memory_space<hbm>> -> memref<80x128xf32, #tpu.memory_space<hbm>>
    %dma_wait3A_345 = arith.constant 176 : i32
    %dma_wait3A_346 = arith.constant 0 : i32
    %dma_wait3A_347 = tpu.memref_slice %arg7[%dma_wait3A_345, %dma_wait3A_346] : memref<256x128xf32, #tpu.memory_space<vmem>> -> memref<80x128xf32, #tpu.memory_space<vmem>>
    tpu.wait_dma2 semaphore(%arg18 : memref<!tpu.dma_semaphore, #tpu.memory_space<semaphore_mem>>) src(%dma_wait3A_347 : memref<80x128xf32, #tpu.memory_space<vmem>>) dst(%dma_wait3A_344 : memref<80x128xf32, #tpu.memory_space<hbm>>)
    return
  }
}

</mosaic_0001>

<sc_bundles>
// kernel: kernel.3.cloned.1.call-start
scs
__scs_entry_jumppad:
0x0: {  	(pc) =	sbr.rel $0x88, $3  }
0x1: {  	(tag) =	ssettag $0x0;
	lr =	simm.s32 $0x1  }
0x2: {  	[smem:$0x3F9F] =	sst lr;
	_ =	strace $0xD0000000  }
0x3: {  	_ = 	snop  }
0x4: {  	_ = 	snop  }
0x5: {  	_ = 	snop  }
0x6: {  	_ = 	snop  }
0x7: {  	_ = 	snop  }
__scs_overlays_trampoline_lowered:
0x8: {  	[smem:$0x3FAE] =	sst s0  }
0x9: {  	[smem:$0x3FAF] =	sst s1  }
0xa: {  	[smem:$0x3FB0] =	sst s2  }
0xb: {  	[smem:$0x3FB1] =	sst s3  }
0xc: {  	[smem:$0x3FB2] =	sst s4  }
0xd: {  	[smem:$0x3FB3] =	sst s5  }
0xe: {  	[smem:$0x3FB4] =	sst s6  }
0xf: {  	[smem:$0x3FB5] =	sst s7  }
0x10: {  	[smem:$0x3FB6] =	sst s8  }
0x11: {  	[smem:$0x3FB7] =	sst s9;
	s0 =	simm.s32 @!p0 $0x0  }
0x12: {  	s1 =	sld [smem:$0x3F9D];
	s0 =	simm.s32 @p0 $0x1  }
0x13: {  	[smem:$0x3FB8] =	sst s0;
	s0 =	simm.s32 @!p1 $0x0  }
0x14: {  	s2 =	sld [smem:$0x3F9C];
	s0 =	simm.s32 @p1 $0x1  }
0x15: {  	[smem:$0x3FB9] =	sst s0;
	s0 =	simm.s32 @!p2 $0x0  }
0x16: {  	s3 =	sld [smem:$0x3FDB];
	s0 =	simm.s32 @p2 $0x1  }
0x17: {  	s4 =	simm.s32 $0x1BF5;
	[smem:$0x3FBB] =	sst s0  }
0x18: {  	s0 =	sld [smem:$0x3F9E];
	_ =	swait.ge [sflag:s4], $0x0  }
0x19: {  	s7 =	sld [smem:$0x3F9F]  }
0x1a: {  	s8 =	sadd.s32 $0xFFFFE003, lr  }
0x1b: {  	s9 =	sadd.s32 $0xFFFFFEF7, lr;
	s5 =	simm.s32 $0xFFFFFFFF;
	p2 =	slt.u32 s8, $0xFFFFF086  }
0x1c: {  	p1 =	slt.u32 s9, $0xF7A;
	s5 =	simm.s32 @!p2 $0x0  }
0x1d: {  	s5 =	simm.s32 @p1 $0x1;
	p0 =	seq.s32 s7, s2  }
0x1e: {  	s7 =	smul.u32 @!p0 $0xF7A, s2;
	p2 =	seq.s32 @!p0 s5, $0x0  }
0x1f: {  	s9 =	smul.u32 $0xF7A, s1;
	s8 =	simm.s32 @!p0 $0x1BF5;
	p2 =	por !p2, p0  }
0x20: {  	[sflag:s8] =	ssyncset.s32 @!p0 $0xFFFFF086;
	s6 =	sadd.s32 @!p0 s3, s7;
	s7 =	simm.s32 @!p0 $0x108  }
0x21: {  	s3 =	sadd.s32 s3, s9;
	s6 =	sadd.s32 @!p0 $0x88, s6;
	s7 =	simm.s32 @p2 $0x1082  }
0x22: {  	[simem:s7], [sflag:s8] =	dma.local @!p0 [hbm:s6], $0xF7A  }
0x23: {  	s9 =	sor.u32 $0xD0000000, s2;
	s6 =	simm.s32 $0x108;
	_ =	swait.ge @!p0 [sflag:s8], $0x0  }
0x24: {  	s3 =	sadd.s32 $0x88, s3;
	s6 =	simm.s32 @!p1 $0x1082;
	[sflag:s4] =	ssyncset.s32 $0xFFFFF086  }
0x25: {  	[simem:s6], [sflag:s4] =	dma.local [hbm:s3], $0xF7A  }
0x26: {  	[smem:$0x3F9F] =	sst s1;
	(tag) =	ssettag s2;
	_ =	strace s9  }
0x27: {  	s1 =	sld [smem:$0x3FAF]  }
0x28: {  	s2 =	sld [smem:$0x3FB0]  }
0x29: {  	s4 =	sld [smem:$0x3FB2]  }
0x2a: {  	p0 =	seq.s32 s5, $0x0;
	s5 =	sld [smem:$0x3FB3]  }
0x2b: {  	s6 =	sld [smem:$0x3FB4]  }
0x2c: {  	s7 =	sld [smem:$0x3FB5]  }
0x2d: {  	s3 =	simm.s32 $0x108;
	s8 =	sld [smem:$0x3FB6]  }
0x2e: {  	s3 =	simm.s32 @!p0 $0x1082;
	s9 =	sld [smem:$0x3FB7]  }
0x2f: {  	lr =	sadd.s32 s0, s3;
	s0 =	sld [smem:$0x3FAE]  }
0x30: {  	s3 =	sld [smem:$0x3FB1]  }
0x31: {  	[smem:$0x3FBA] =	sst s10  }
0x32: {  	s10 =	sld [smem:$0x3FB8];
	_ =	sdelay $0x3  }
0x33: {  	p0 =	seq.s32 s10, $0x1;
	s10 =	sld [smem:$0x3FBA];
	_ =	sdelay $0x3  }
0x34: {  	[smem:$0x3FBA] =	sst s10  }
0x35: {  	s10 =	sld [smem:$0x3FB9];
	_ =	sdelay $0x3  }
0x36: {  	p1 =	seq.s32 s10, $0x1;
	s10 =	sld [smem:$0x3FBA];
	_ =	sdelay $0x3  }
0x37: {  	[smem:$0x3FBA] =	sst s10  }
0x38: {  	s10 =	sld [smem:$0x3FBB]  }
0x39: {  	_ = 	snop;
	(pc) =	sbr.ind lr, $3  }
0x3a: {  	_ = 	snop  }
0x3b: {  	_ = 	snop  }
0x3c: {  	p2 =	seq.s32 s10, $0x1;
	s10 =	sld [smem:$0x3FBA]  }
0x3d: {  	_ =	shalt  }
0x3e: {  	_ =	shalt  }
0x3f: {  	_ =	shalt  }
0x40: {  	_ =	shalt  }
0x41: {  	_ =	shalt  }
0x42: {  	_ =	shalt  }
0x43: {  	_ =	shalt  }
0x44: {  	_ =	shalt  }
0x45: {  	_ =	shalt  }
0x46: {  	_ =	shalt  }
0x47: {  	_ =	shalt  }
0x48: {  	_ =	shalt  }
0x49: {  	_ =	shalt  }
0x4a: {  	_ =	shalt  }
0x4b: {  	_ =	shalt  }
0x4c: {  	_ =	shalt  }
0x4d: {  	_ =	shalt  }
0x4e: {  	_ =	shalt  }
0x4f: {  	_ =	shalt  }
0x50: {  	_ =	shalt  }
0x51: {  	_ =	shalt  }
0x52: {  	_ =	shalt  }
0x53: {  	_ =	shalt  }
0x54: {  	_ =	shalt  }
0x55: {  	_ =	shalt  }
0x56: {  	_ =	shalt  }
0x57: {  	_ =	shalt  }
0x58: {  	_ =	shalt  }
0x59: {  	_ =	shalt  }
0x5a: {  	_ =	shalt  }
0x5b: {  	_ =	shalt  }
0x5c: {  	_ =	shalt  }
0x5d: {  	_ =	shalt  }
0x5e: {  	_ =	shalt  }
0x5f: {  	_ =	shalt  }
0x60: {  	_ =	shalt  }
0x61: {  	_ =	shalt  }
0x62: {  	_ =	shalt  }
0x63: {  	_ =	shalt  }
0x64: {  	_ =	shalt  }
0x65: {  	_ =	shalt  }
0x66: {  	_ =	shalt  }
0x67: {  	_ =	shalt  }
0x68: {  	_ =	shalt  }
0x69: {  	_ =	shalt  }
0x6a: {  	_ =	shalt  }
0x6b: {  	_ =	shalt  }
0x6c: {  	_ =	shalt  }
0x6d: {  	_ =	shalt  }
0x6e: {  	_ =	shalt  }
0x6f: {  	_ =	shalt  }
0x70: {  	_ =	shalt  }
0x71: {  	_ =	shalt  }
0x72: {  	_ =	shalt  }
0x73: {  	_ =	shalt  }
0x74: {  	_ =	shalt  }
0x75: {  	_ =	shalt  }
0x76: {  	_ =	shalt  }
0x77: {  	_ =	shalt  }
0x78: {  	_ =	shalt  }
0x79: {  	_ =	shalt  }
0x7a: {  	_ =	shalt  }
0x7b: {  	_ =	shalt  }
0x7c: {  	_ =	shalt  }
0x7d: {  	_ =	shalt  }
0x7e: {  	_ =	shalt  }
0x7f: {  	_ =	shalt  }
0x80: {  	_ =	shalt  }
0x81: {  	_ =	shalt  }
0x82: {  	_ =	shalt  }
0x83: {  	_ =	shalt  }
0x84: {  	_ =	shalt  }
0x85: {  	_ =	shalt  }
0x86: {  	_ =	shalt  }
0x87: {  	_ =	shalt  }
.Lfunc_end0:
.L_simem_size_0:
called_computation_lowered:
.L_overlay_start_0:
0x88: {  	s2 =	sld [smem:$0x3FD9]  }
0x89: {  	s3 =	sld [smem:$0x3FFE];
	_ =	sdelay $0x1  }
0x8a: {  	s1 =	srdreg.scid  }
0x8b: {  	s0 =	sand.u32 $0x1, s1  }
0x8c: {  	s17 =	sshll.u32 s0, $0xA;
	s2 =	sadd.s32 s3, s2  }
0x8d: {  	s2 =	sadd.s32 s2, s17  }
0x8e: {  	[smem:$0x3FC6] =	sst s2  }
0x8f: {  	_ = 	snop  }
0x90: {  	s2 =	sld [smem:$0x3FC9]  }
0x91: {  	s18 =	sld [smem:$0x3FC8]  }
0x92: {  	s4 =	sld [smem:$0x3FD0];
	(tm) =	ssettm $0x1  }
0x93: {  	s5 =	sld [smem:$0x3FFB];
	_ =	sdelay $0x3  }
0x94: {  	_ =	strace s5  }
0x95: {  	s5 =	sld [smem:$0x3FFC];
	_ =	sdelay $0x3  }
0x96: {  	_ =	strace s5  }
0x97: {  	s5 =	sld [smem:$0x3FFD];
	_ =	sdelay $0x3  }
0x98: {  	_ =	strace s5  }
0x99: {  	_ =	strace $0x8FFFFFFF  }
0x9a: {  	s19 =	sld [smem:$0x3FDB];
	_ =	sdelay $0x1  }
0x9b: {  	s6 =	simm.s32 $_scs_section_size  }
0x9c: {  	s7 =	simm.s32 $_size__tile_overlayer_lowered;
	s8 =	simm.s32 $_tile_overlayer_lowered  }
0x9d: {  	s22 =	simm.s32 $0x1BFF;
	s21 =	sshll.u32 s8, $0x1;
	s5 =	sadd.s32 s6, s19  }
0x9e: {  	s9 =	simm.s32 $0x0;
	s20 =	sshll.u32 s7, $0x1;
	s7 =	sadd.s32 s21, s5  }
0x9f: {  	[timem:s9], [sflag:s22] =	dma.local [hbm:s7], s20  }
0xa0: {  	_ =	swait.ge [sflag:s22], s20  }
0xa1: {  	s6 =	ssub.s32 $0x0, s20;
	[sflag:s22] =	ssyncset.done $0x0  }
0xa2: {  	[sflag:s22] =	ssyncadd.s32 s6;
	_ =	sdelay $0x1  }
0xa3: {  	s23 =	simm.s32 $0x1B8B  }
0xa4: {  	_ =	swait.ge [sflag:s23], $0x1  }
0xa5: {  	[sflag:s23] =	ssyncset.done $0x0  }
0xa6: {  	s25 =	simm.s32 $0x1B8E;
	s24 =	sld [smem:$0x3FFE];
	[sflag:s23] =	ssyncadd.s32 $0xFFFFFFFF  }
0xa7: {  	s26 =	simm.s32 $execute0_lowered;
	[smem:$0x3FD2] =	sst s25  }
0xa8: {  	s7 =	sshll.u32 s26, $0x1;
	_ =	strace $0x80000046;
	[dreg:$0x1] =	wrdreg $0xFFFFFFFF  }
0xa9: {  	s28 =	simm.s32 $_size_execute0_lowered;
	s5 =	sadd.s32 s5, s7;
	[dreg:$0x0] =	wrdreg $0x0  }
0xaa: {  	s7 =	sshll.u32 s28, $0x1;
	[dreg:$0x2] =	wrdreg s5  }
0xab: {  	[dreg:$0x3] =	wrdreg s7  }
0xac: {  	[dreg:$0x4] =	wrdreg $0xC0  }
0xad: {  	_ =	task [dreg:s9], $0x5FFFF  }
0xae: {  	[dreg:$0x1] =	wrdreg $0xFFFFFFFF  }
0xaf: {  	[dreg:$0x0] =	wrdreg $0x60  }
0xb0: {  	[dreg:$0x2] =	wrdreg s2  }
0xb1: {  	[dreg:$0x3] =	wrdreg s18  }
0xb2: {  	[dreg:$0x4] =	wrdreg s24  }
0xb3: {  	[dreg:$0x5] =	wrdreg s4  }
0xb4: {  	[dreg:$0x6] =	wrdreg $0x9  }
0xb5: {  	_ =	task.clear_ibuf [dreg:s9], $0x7FFFF;
	_ =	strace $0x90000046  }
0xb6: {  	s29 =	simm.s32 $0x9;
	_ =	strace $0x80000048  }
0xb7: {  	_ =	swait.ge [sflag:s29], $0x1  }
0xb8: {  	[sflag:s29] =	ssyncadd.s32 $0xFFFFFFFF  }
0xb9: {  	_ =	strace $0x90000048  }
0xba: {  	_ =	sfence  }
0xbb: {  	s30 =	sld [smem:$0x0];
	_ =	sdelay $0x2  }
0xbc: {  	s31 =	sshll.u32 s1, $0xD;
	s1 =	sshrl.u32 s1, $0x2  }
0xbd: {  	s3 =	sand.u32 $0x4000, s31;
	s1 =	sadd.s32 s1, s30  }
0xbe: {  	s0 =	sor.u32 s3, s0;
	s1 =	sshll.u32 s1, $0x11  }
0xbf: {  	s0 =	sor.u32 s1, s0  }
0xc0: {  	s0 =	sadd.s32 $0x8F2B, s0  }
0xc1: {  	[sflag:s0] =	ssyncadd.remote.s32 $0x1  }
0xc2: {  	_ =	sfence.sel $0xFFFF  }
0xc3: {  	[dreg:$0x0] =	wrdreg $0xFFFFFFFF;
	(pc) =	sbr.abs _section_cstart, $3  }
0xc4: {  	[dreg:$0x1] =	wrdreg $0xFFFFFFFF  }
0xc5: {  	_ =	task.clear_ibuf [dreg:s9], $0x2FFFF;
	_ =	strace $0x9FFFFFFF  }
0xc6: {  	(tm) =	ssettm $0x7FFFFFFF  }
0xc7: {  	_ =	shalt  }
tec
execute0_lowered:
.L_overlay_start_1:
0x0: {  	(tag) =	ssettag $0x1  }
0x1: {  	s0 =	rddreg [dreg:$0x0]  }
0x2: {  	s1 =	rddreg [dreg:$0x1]  }
0x3: {  	s2 =	srdreg.scid;
	s4 =	rddreg [dreg:$0x2]  }
0x4: {  	s10 =	stileid.u32;
	s5 =	rddreg [dreg:$0x3]  }
0x5: {  	s3 =	simm.s32 $0x0;
	s29 =	simm.s32 $0x1900;
	s30 =	simm.s32 $0x50  }
0x6: {  	s16 =	simm.s32 $0x5900;
	s17 =	simm.s32 $0x1;
	s18 =	simm.s32 $0xB  }
0x7: {  	s28 =	simm.s32 $0xE;
	s31 =	simm.s32 $0x5;
	s2 =	sand.u32 $0x1, s2  }
0x8: {  	s6 =	sshll.u32 s10, $0x9;
	[smem:$0x7FF] =	sst s3;
	s7 =	sshll.u32 s2, $0x8  }
0x9: {  	s19 =	sshll.u32 s10, $0x5;
	s2 =	ssub.s32 $0x2, s2;
	s6 =	sor.u32 s7, s6  }
0xa: {  	_ =	strace $0x80000047;
	s9 =	sshrl.u32 s2, $0x1;
	s7 =	sand.u32 $0x700, s6  }
0xb: {  	s2 =	ssub.s32 s2, s9;
	s6 =	sshll.u32 s6, $0x4;
	s9 =	simm.s32 $0x0  }
0xc: {  	s8 =	sshll.u32 s7, $0x4;
	s7 =	sshll.u32 s7, $0x2;
	s10 =	sadd.s32 s5, s6  }
0xd: {  	s15 =	smax.u32 s2, $0x1;
	s2 =	simm.s32 $0x3100;
	s5 =	simm.s32 $0x7  }
0xe: {  	s6 =	simm.s32 $0x8;
	s4 =	sadd.s32 s8, s4;
	s24 =	sadd.s32 $0x100, s10  }
0xf: {  	s8 =	sand.u32 $0x180, s19;
	s25 =	sadd.s32 $0x300, s10;
	[dreg:$0xb] =	wrdreg s24  }
0x10: {  	s26 =	sadd.s32 $0x600, s10;
	s14 =	sadd.s32 $0xB00, s10;
	[dreg:$0xc] =	wrdreg s25  }
0x11: {  	s19 =	simm.s32 $0x2;
	s20 =	sadd.s32 $0x400, s4;
	[dreg:$0xd] =	wrdreg s26  }
0x12: {  	s21 =	sadd.s32 $0x500, s4;
	s22 =	sadd.s32 $0x700, s4;
	[dreg:$0x5] =	wrdreg s20  }
0x13: {  	s7 =	sor.u32 s8, s7;
	s23 =	sadd.s32 $0xA00, s4;
	[dreg:$0x6] =	wrdreg s21  }
0x14: {  	s4 =	sadd.s32 $0xF00, s4;
	s24 =	simm.s32 $0x100;
	[dreg:$0x7] =	wrdreg s22  }
0x15: {  	s26 =	simm.s32 $0x900;
	s25 =	simm.s32 $0x4;
	[dreg:$0x8] =	wrdreg s23  }
0x16: {  	s8 =	simm.s32 $0xA;
	s7 =	sshrl.u32 s7, $0x3;
	[dreg:$0x9] =	wrdreg s4  }
0x17: {  	s23 =	simm.s32 $0x10;
	s20 =	simm.s32 $0xC;
	s21 =	simm.s32 $0x3  }
0x18: {  	s22 =	simm.s32 $0xD;
	s4 =	simm.s32 $0x6;
	s0 =	sadd.s32 s0, s7  }
0x19: {  	s7 =	simm.s32 $0x9;
	[dreg:$0xa] =	wrdreg s0;
	s0 =	simm.s32 $0xF  }
.LBB2_1:
0x1a: {  	s11 =	rddreg [dreg:$0x5];
	s12 =	simm.s32 $0x8100  }
0x1b: {  	[tilespmem:s12], [sflag:$0xB] =	stream.linear.gather [hbm4b:s11+s3], $0x800, $0x38;
	[tilespmem:$0x10100] =	vst v63  }
0x1c: {  	s13 =	simm.s32 $0x8900;
	s12 =	rddreg [dreg:$0x6]  }
0x1d: {  	[tilespmem:s13], [sflag:$0xC] =	stream.linear.gather [hbm4b:s12+s3], $0x1000, $0x38;
	[tilespmem:$0x10100] =	vst v63  }
0x1e: {  	s12 =	rddreg [dreg:$0x7];
	s13 =	simm.s32 $0x9900  }
0x1f: {  	[tilespmem:s13], [sflag:$0xD] =	stream.linear.gather [hbm4b:s12+s3], $0x1800, $0x38;
	[tilespmem:$0x10100] =	vst v63  }
0x20: {  	s12 =	rddreg [dreg:$0x8];
	s13 =	simm.s32 $0xB100  }
0x21: {  	[tilespmem:s13], [sflag:$0xE] =	stream.linear.gather [hbm4b:s12+s3], $0x2800, $0x38;
	[tilespmem:$0x10100] =	vst v63  }
0x22: {  	s12 =	rddreg [dreg:$0x9];
	s13 =	simm.s32 $0xD900  }
0x23: {  	[tilespmem:s13], [sflag:$0xF] =	stream.linear.gather [hbm4b:s12+s3], $0x2800, $0x38;
	[tilespmem:$0x10100] =	vst v63  }
0x24: {  	s11 =	rddreg [dreg:$0xa];
	s12 =	simm.s32 $0x80;
	s13 =	simm.s32 $0x200  }
0x25: {  	[tilespmem:s3], [sflag:$0x10] =	stream.strided.gather [hbm4b:s11+s12], $0x100, s13, s12, $0x38;
	[tilespmem:$0x10100] =	vst v63  }
0x26: {  	_ =	swait.ge [sflag:s23], $0x100  }
0x27: {  	[sflag:s23] =	ssyncset.done $0x0  }
0x28: {  	[sflag:s23] =	ssyncadd.s32 $0xFFFFFF00  }
0x29: {  	[tilespmem:s24], [sflag:$0x1] =	stream.indirect.gather [hbm4b:s1+s23], $0x80, s3, s23, $0xb8;
	[tilespmem:$0x10100] =	vst v63  }
0x2a: {  	s12 =	simm.s32 $0x20  }
0x2b: {  	[tilespmem:s26], [sflag:$0x2] =	stream.indirect.gather [hbm4b:s1+s12], $0x80, s23, s12, $0xb8;
	[tilespmem:$0x10100] =	vst v63  }
0x2c: {  	s13 =	simm.s32 $0x30  }
0x2d: {  	[tilespmem:s29], [sflag:$0x3] =	stream.indirect.gather [hbm4b:s1+s13], $0x80, s13, s13, $0xb8;
	[tilespmem:$0x10100] =	vst v63  }
0x2e: {  	s12 =	simm.s32 $0x60  }
0x2f: {  	[tilespmem:s2], [sflag:$0x4] =	stream.indirect.gather [hbm4b:s1+s30], $0x80, s12, s30, $0xb8;
	[tilespmem:$0x10100] =	vst v63  }
0x30: {  	s13 =	simm.s32 $0xB0  }
0x31: {  	[tilespmem:s16], [sflag:$0x5] =	stream.indirect.gather [hbm4b:s1+s30], $0x80, s13, s30, $0xb8;
	[tilespmem:$0x10100] =	vst v63  }
0x32: {  	_ =	swait.ge [sflag:s17], $0x800  }
0x33: {  	[sflag:s17] =	ssyncset.done $0x0  }
0x34: {  	[sflag:s17] =	ssyncadd.s32 $0xFFFFF800  }
0x35: {  	_ =	swait.ge [sflag:s18], $0x800  }
0x36: {  	[sflag:s18] =	ssyncset.done $0x0  }
0x37: {  	s11 =	simm.s32 $0x0;
	[sflag:s18] =	ssyncadd.s32 $0xFFFFF800  }
0x38: {  	v5 =	vld [tilespmem:s11+$0x8100]  }
0x39: {  	v4 =	vld [tilespmem:s11+$0x8110]  }
0x3a: {  	v3 =	vld [tilespmem:s11+$0x8120]  }
0x3b: {  	v2 =	vld [tilespmem:s11+$0x8130]  }
0x3c: {  	v1 =	vld [tilespmem:s11+$0x8140]  }
0x3d: {  	v0 =	vld [tilespmem:s11+$0x8150]  }
0x3e: {  	v6 =	vld [tilespmem:s11+$0x100]  }
0x3f: {  	v11 =	vld [tilespmem:s11+$0x110]  }
0x40: {  	v10 =	vld [tilespmem:s11+$0x120]  }
0x41: {  	v9 =	vld [tilespmem:s11+$0x130]  }
0x42: {  	v8 =	vld [tilespmem:s11+$0x140]  }
0x43: {  	v7 =	vld [tilespmem:s11+$0x150];
	v12 =	vmul.f32 $1.131370830e+01, v6  }
0x44: {  	s12 =	simm.s32 $0x200;
	v11 =	vmul.f32 $1.131370830e+01, v11;
	v6 =	vld [tilespmem:s11+$0x160]  }
.LBB2_2:
0x45: {  	p0 =	sne.s32 s12, $0x1E00;
	v5 =	vadd.f32 v5, v12;
	v10 =	vmul.f32 $1.131370830e+01, v10;
	v12 =	vld [tilespmem:s11+$0x170]  }
0x46: {  	v4 =	vadd.f32 v4, v11;
	v9 =	vmul.f32 $1.131370830e+01, v9;
	v11 =	vld [tilespmem:s11+$0x8160]  }
0x47: {  	s13 =	sshra.s32 s12, $0x2;
	[tilespmem:s11+$0x100] =	vst v5;
	v3 =	vadd.f32 v3, v10;
	v8 =	vmul.f32 $1.131370830e+01, v8;
	v10 =	vld [tilespmem:s11+$0x8170]  }
0x48: {  	v5 =	vld [tilespmem:s13+$0x8100];
	[tilespmem:s11+$0x110] =	vst v4;
	v2 =	vadd.f32 v2, v9;
	v7 =	vmul.f32 $1.131370830e+01, v7  }
0x49: {  	v4 =	vld [tilespmem:s13+$0x8110];
	[tilespmem:s11+$0x120] =	vst v3;
	v1 =	vadd.f32 v1, v8;
	v6 =	vmul.f32 $1.131370830e+01, v6  }
0x4a: {  	v3 =	vld [tilespmem:s13+$0x8120];
	[tilespmem:s11+$0x130] =	vst v2;
	v0 =	vadd.f32 v0, v7;
	v7 =	vmul.f32 $1.131370830e+01, v12  }
0x4b: {  	v2 =	vld [tilespmem:s13+$0x8130];
	[tilespmem:s11+$0x140] =	vst v1;
	v6 =	vadd.f32 v11, v6  }
0x4c: {  	v1 =	vld [tilespmem:s13+$0x8140];
	[tilespmem:s11+$0x150] =	vst v0;
	v7 =	vadd.f32 v10, v7  }
0x4d: {  	v0 =	vld [tilespmem:s13+$0x8150];
	[tilespmem:s11+$0x160] =	vst v6  }
0x4e: {  	v6 =	vld [tilespmem:s13+$0x100];
	[tilespmem:s11+$0x170] =	vst v7;
	s11 =	smov.u32 s13  }
0x4f: {  	v11 =	vld [tilespmem:s11+$0x110]  }
.Ltmp0:
0x50: {  	v10 =	vld [tilespmem:s11+$0x120];
	(pc) =	sbr.rel @p0 .LBB2_2-.Ltmp0, $4  }
0x51: {  	v9 =	vld [tilespmem:s11+$0x130]  }
0x52: {  	v8 =	vld [tilespmem:s11+$0x140]  }
0x53: {  	v12 =	vmul.f32 $1.131370830e+01, v6;
	v7 =	vld [tilespmem:s11+$0x150]  }
0x54: {  	s12 =	sadd.s32 $0x200, s12;
	v11 =	vmul.f32 $1.131370830e+01, v11;
	v6 =	vld [tilespmem:s11+$0x160]  }
0x55: {  	v5 =	vadd.f32 v5, v12;
	v12 =	vld [tilespmem:s11+$0x170];
	v10 =	vmul.f32 $1.131370830e+01, v10  }
0x56: {  	v13 =	vld [tilespmem:s11+$0x8160];
	v4 =	vadd.f32 v4, v11;
	v9 =	vmul.f32 $1.131370830e+01, v9  }
0x57: {  	[tilespmem:s11+$0x100] =	vst v5;
	v3 =	vadd.f32 v3, v10;
	v5 =	vmul.f32 $1.131370830e+01, v8;
	v8 =	vld [tilespmem:s11+$0x8170]  }
0x58: {  	[tilespmem:s11+$0x110] =	vst v4;
	v2 =	vadd.f32 v2, v9;
	v4 =	vmul.f32 $1.131370830e+01, v7  }
0x59: {  	[tilespmem:s11+$0x120] =	vst v3;
	v1 =	vadd.f32 v1, v5;
	v3 =	vmul.f32 $1.131370830e+01, v6  }
0x5a: {  	[tilespmem:s11+$0x130] =	vst v2;
	v0 =	vadd.f32 v0, v4;
	v2 =	vmul.f32 $1.131370830e+01, v12  }
0x5b: {  	[tilespmem:s11+$0x140] =	vst v1;
	v1 =	vadd.f32 v13, v3  }
0x5c: {  	[tilespmem:s11+$0x150] =	vst v0;
	v0 =	vadd.f32 v8, v2  }
0x5d: {  	[tilespmem:s11+$0x160] =	vst v1  }
0x5e: {  	s13 =	simm.s32 $0x0;
	[tilespmem:s11+$0x170] =	vst v0  }
0x5f: {  	[hbm4b:s10+s13] =	stream.linear.scatter [tilespmem:s24], [sflag:$0x6], $0x800, $0x38;
	[tilespmem:$0x10100] =	vst v63  }
0x60: {  	_ =	swait.ge [sflag:s19], $0x1000  }
0x61: {  	[sflag:s19] =	ssyncset.done $0x0  }
0x62: {  	[sflag:s19] =	ssyncadd.s32 $0xFFFFF000  }
0x63: {  	_ =	swait.ge [sflag:s20], $0x1000  }
0x64: {  	[sflag:s20] =	ssyncset.done $0x0  }
0x65: {  	s11 =	simm.s32 $0x0;
	[sflag:s20] =	ssyncadd.s32 $0xFFFFF000  }
0x66: {  	v5 =	vld [tilespmem:s11+$0x8900]  }
0x67: {  	v4 =	vld [tilespmem:s11+$0x8910]  }
0x68: {  	v3 =	vld [tilespmem:s11+$0x8920]  }
0x69: {  	v2 =	vld [tilespmem:s11+$0x8930]  }
0x6a: {  	v1 =	vld [tilespmem:s11+$0x8940]  }
0x6b: {  	v0 =	vld [tilespmem:s11+$0x8950]  }
0x6c: {  	v6 =	vld [tilespmem:s11+$0x900]  }
0x6d: {  	v11 =	vld [tilespmem:s11+$0x910]  }
0x6e: {  	v10 =	vld [tilespmem:s11+$0x920]  }
0x6f: {  	v9 =	vld [tilespmem:s11+$0x930]  }
0x70: {  	v8 =	vld [tilespmem:s11+$0x940]  }
0x71: {  	v7 =	vld [tilespmem:s11+$0x950];
	v12 =	vmul.f32 $1.131370830e+01, v6  }
0x72: {  	s12 =	simm.s32 $0x200;
	v11 =	vmul.f32 $1.131370830e+01, v11;
	v6 =	vld [tilespmem:s11+$0x960]  }
.LBB2_4:
0x73: {  	p0 =	sne.s32 s12, $0x3E00;
	v5 =	vadd.f32 v5, v12;
	v10 =	vmul.f32 $1.131370830e+01, v10;
	v12 =	vld [tilespmem:s11+$0x970]  }
0x74: {  	v4 =	vadd.f32 v4, v11;
	v9 =	vmul.f32 $1.131370830e+01, v9;
	v11 =	vld [tilespmem:s11+$0x8960]  }
0x75: {  	s13 =	sshra.s32 s12, $0x2;
	[tilespmem:s11+$0x900] =	vst v5;
	v3 =	vadd.f32 v3, v10;
	v8 =	vmul.f32 $1.131370830e+01, v8;
	v10 =	vld [tilespmem:s11+$0x8970]  }
0x76: {  	v5 =	vld [tilespmem:s13+$0x8900];
	[tilespmem:s11+$0x910] =	vst v4;
	v2 =	vadd.f32 v2, v9;
	v7 =	vmul.f32 $1.131370830e+01, v7  }
0x77: {  	v4 =	vld [tilespmem:s13+$0x8910];
	[tilespmem:s11+$0x920] =	vst v3;
	v1 =	vadd.f32 v1, v8;
	v6 =	vmul.f32 $1.131370830e+01, v6  }
0x78: {  	v3 =	vld [tilespmem:s13+$0x8920];
	[tilespmem:s11+$0x930] =	vst v2;
	v0 =	vadd.f32 v0, v7;
	v7 =	vmul.f32 $1.131370830e+01, v12  }
0x79: {  	v2 =	vld [tilespmem:s13+$0x8930];
	[tilespmem:s11+$0x940] =	vst v1;
	v6 =	vadd.f32 v11, v6  }
0x7a: {  	v1 =	vld [tilespmem:s13+$0x8940];
	[tilespmem:s11+$0x950] =	vst v0;
	v7 =	vadd.f32 v10, v7  }
0x7b: {  	v0 =	vld [tilespmem:s13+$0x8950];
	[tilespmem:s11+$0x960] =	vst v6  }
0x7c: {  	v6 =	vld [tilespmem:s13+$0x900];
	[tilespmem:s11+$0x970] =	vst v7;
	s11 =	smov.u32 s13  }
0x7d: {  	v11 =	vld [tilespmem:s11+$0x910]  }
.Ltmp1:
0x7e: {  	v10 =	vld [tilespmem:s11+$0x920];
	(pc) =	sbr.rel @p0 .LBB2_4-.Ltmp1, $4  }
0x7f: {  	v9 =	vld [tilespmem:s11+$0x930]  }
0x80: {  	v8 =	vld [tilespmem:s11+$0x940]  }
0x81: {  	v12 =	vmul.f32 $1.131370830e+01, v6;
	v7 =	vld [tilespmem:s11+$0x950]  }
0x82: {  	s12 =	sadd.s32 $0x200, s12;
	v11 =	vmul.f32 $1.131370830e+01, v11;
	v6 =	vld [tilespmem:s11+$0x960]  }
0x83: {  	v5 =	vadd.f32 v5, v12;
	v12 =	vld [tilespmem:s11+$0x970];
	v10 =	vmul.f32 $1.131370830e+01, v10  }
0x84: {  	v13 =	vld [tilespmem:s11+$0x8960];
	v4 =	vadd.f32 v4, v11;
	v9 =	vmul.f32 $1.131370830e+01, v9  }
0x85: {  	[tilespmem:s11+$0x900] =	vst v5;
	v3 =	vadd.f32 v3, v10;
	v5 =	vmul.f32 $1.131370830e+01, v8;
	v8 =	vld [tilespmem:s11+$0x8970]  }
0x86: {  	[tilespmem:s11+$0x910] =	vst v4;
	v2 =	vadd.f32 v2, v9;
	v4 =	vmul.f32 $1.131370830e+01, v7  }
0x87: {  	[tilespmem:s11+$0x920] =	vst v3;
	v1 =	vadd.f32 v1, v5;
	v3 =	vmul.f32 $1.131370830e+01, v6  }
0x88: {  	[tilespmem:s11+$0x930] =	vst v2;
	v0 =	vadd.f32 v0, v4;
	v2 =	vmul.f32 $1.131370830e+01, v12  }
0x89: {  	[tilespmem:s11+$0x940] =	vst v1;
	v1 =	vadd.f32 v13, v3  }
0x8a: {  	[tilespmem:s11+$0x950] =	vst v0;
	v0 =	vadd.f32 v8, v2  }
0x8b: {  	[tilespmem:s11+$0x960] =	vst v1  }
0x8c: {  	s13 =	simm.s32 $0x0;
	s12 =	rddreg [dreg:$0xb];
	[tilespmem:s11+$0x970] =	vst v0  }
0x8d: {  	[hbm4b:s12+s13] =	stream.linear.scatter [tilespmem:s26], [sflag:$0x7], $0x1000, $0x38;
	[tilespmem:$0x10100] =	vst v63  }
0x8e: {  	_ =	swait.ge [sflag:s21], $0x1800  }
0x8f: {  	[sflag:s21] =	ssyncset.done $0x0  }
0x90: {  	[sflag:s21] =	ssyncadd.s32 $0xFFFFE800  }
0x91: {  	_ =	swait.ge [sflag:s22], $0x1800  }
0x92: {  	[sflag:s22] =	ssyncset.done $0x0  }
0x93: {  	s11 =	simm.s32 $0x0;
	[sflag:s22] =	ssyncadd.s32 $0xFFFFE800  }
0x94: {  	v5 =	vld [tilespmem:s11+$0x9900]  }
0x95: {  	v4 =	vld [tilespmem:s11+$0x9910]  }
0x96: {  	v3 =	vld [tilespmem:s11+$0x9920]  }
0x97: {  	v2 =	vld [tilespmem:s11+$0x9930]  }
0x98: {  	v1 =	vld [tilespmem:s11+$0x9940]  }
0x99: {  	v0 =	vld [tilespmem:s11+$0x9950]  }
0x9a: {  	v6 =	vld [tilespmem:s11+$0x1900]  }
0x9b: {  	v11 =	vld [tilespmem:s11+$0x1910]  }
0x9c: {  	v10 =	vld [tilespmem:s11+$0x1920]  }
0x9d: {  	v9 =	vld [tilespmem:s11+$0x1930]  }
0x9e: {  	v8 =	vld [tilespmem:s11+$0x1940]  }
0x9f: {  	v7 =	vld [tilespmem:s11+$0x1950];
	v12 =	vmul.f32 $1.131370830e+01, v6  }
0xa0: {  	s12 =	simm.s32 $0x200;
	v11 =	vmul.f32 $1.131370830e+01, v11;
	v6 =	vld [tilespmem:s11+$0x1960]  }
.LBB2_6:
0xa1: {  	p0 =	sne.s32 s12, $0x5E00;
	v5 =	vadd.f32 v5, v12;
	v10 =	vmul.f32 $1.131370830e+01, v10;
	v12 =	vld [tilespmem:s11+$0x1970]  }
0xa2: {  	v4 =	vadd.f32 v4, v11;
	v9 =	vmul.f32 $1.131370830e+01, v9;
	v11 =	vld [tilespmem:s11+$0x9960]  }
0xa3: {  	s13 =	sshra.s32 s12, $0x2;
	[tilespmem:s11+$0x1900] =	vst v5;
	v3 =	vadd.f32 v3, v10;
	v8 =	vmul.f32 $1.131370830e+01, v8;
	v10 =	vld [tilespmem:s11+$0x9970]  }
0xa4: {  	v5 =	vld [tilespmem:s13+$0x9900];
	[tilespmem:s11+$0x1910] =	vst v4;
	v2 =	vadd.f32 v2, v9;
	v7 =	vmul.f32 $1.131370830e+01, v7  }
0xa5: {  	v4 =	vld [tilespmem:s13+$0x9910];
	[tilespmem:s11+$0x1920] =	vst v3;
	v1 =	vadd.f32 v1, v8;
	v6 =	vmul.f32 $1.131370830e+01, v6  }
0xa6: {  	v3 =	vld [tilespmem:s13+$0x9920];
	[tilespmem:s11+$0x1930] =	vst v2;
	v0 =	vadd.f32 v0, v7;
	v7 =	vmul.f32 $1.131370830e+01, v12  }
0xa7: {  	v2 =	vld [tilespmem:s13+$0x9930];
	[tilespmem:s11+$0x1940] =	vst v1;
	v6 =	vadd.f32 v11, v6  }
0xa8: {  	v1 =	vld [tilespmem:s13+$0x9940];
	[tilespmem:s11+$0x1950] =	vst v0;
	v7 =	vadd.f32 v10, v7  }
0xa9: {  	v0 =	vld [tilespmem:s13+$0x9950];
	[tilespmem:s11+$0x1960] =	vst v6  }
0xaa: {  	v6 =	vld [tilespmem:s13+$0x1900];
	[tilespmem:s11+$0x1970] =	vst v7;
	s11 =	smov.u32 s13  }
0xab: {  	v11 =	vld [tilespmem:s11+$0x1910]  }
.Ltmp2:
0xac: {  	v10 =	vld [tilespmem:s11+$0x1920];
	(pc) =	sbr.rel @p0 .LBB2_6-.Ltmp2, $4  }
0xad: {  	v9 =	vld [tilespmem:s11+$0x1930]  }
0xae: {  	v8 =	vld [tilespmem:s11+$0x1940]  }
0xaf: {  	v12 =	vmul.f32 $1.131370830e+01, v6;
	v7 =	vld [tilespmem:s11+$0x1950]  }
0xb0: {  	s12 =	sadd.s32 $0x200, s12;
	v11 =	vmul.f32 $1.131370830e+01, v11;
	v6 =	vld [tilespmem:s11+$0x1960]  }
0xb1: {  	v5 =	vadd.f32 v5, v12;
	v12 =	vld [tilespmem:s11+$0x1970];
	v10 =	vmul.f32 $1.131370830e+01, v10  }
0xb2: {  	v13 =	vld [tilespmem:s11+$0x9960];
	v4 =	vadd.f32 v4, v11;
	v9 =	vmul.f32 $1.131370830e+01, v9  }
0xb3: {  	[tilespmem:s11+$0x1900] =	vst v5;
	v3 =	vadd.f32 v3, v10;
	v5 =	vmul.f32 $1.131370830e+01, v8;
	v8 =	vld [tilespmem:s11+$0x9970]  }
0xb4: {  	[tilespmem:s11+$0x1910] =	vst v4;
	v2 =	vadd.f32 v2, v9;
	v4 =	vmul.f32 $1.131370830e+01, v7  }
0xb5: {  	[tilespmem:s11+$0x1920] =	vst v3;
	v1 =	vadd.f32 v1, v5;
	v3 =	vmul.f32 $1.131370830e+01, v6  }
0xb6: {  	[tilespmem:s11+$0x1930] =	vst v2;
	v0 =	vadd.f32 v0, v4;
	v2 =	vmul.f32 $1.131370830e+01, v12  }
0xb7: {  	[tilespmem:s11+$0x1940] =	vst v1;
	v1 =	vadd.f32 v13, v3  }
0xb8: {  	[tilespmem:s11+$0x1950] =	vst v0;
	v0 =	vadd.f32 v8, v2  }
0xb9: {  	[tilespmem:s11+$0x1960] =	vst v1  }
0xba: {  	s13 =	simm.s32 $0x0;
	s12 =	rddreg [dreg:$0xc];
	[tilespmem:s11+$0x1970] =	vst v0  }
0xbb: {  	[hbm4b:s12+s13] =	stream.linear.scatter [tilespmem:s29], [sflag:$0x8], $0x1800, $0x38;
	[tilespmem:$0x10100] =	vst v63  }
0xbc: {  	_ =	swait.ge [sflag:s25], $0x2800  }
0xbd: {  	[sflag:s25] =	ssyncset.done $0x0  }
0xbe: {  	[sflag:s25] =	ssyncadd.s32 $0xFFFFD800  }
0xbf: {  	_ =	swait.ge [sflag:s28], $0x2800  }
0xc0: {  	[sflag:s28] =	ssyncset.done $0x0  }
0xc1: {  	s11 =	simm.s32 $0x0;
	[sflag:s28] =	ssyncadd.s32 $0xFFFFD800  }
0xc2: {  	v5 =	vld [tilespmem:s11+$0xB100]  }
0xc3: {  	v4 =	vld [tilespmem:s11+$0xB110]  }
0xc4: {  	v3 =	vld [tilespmem:s11+$0xB120]  }
0xc5: {  	v2 =	vld [tilespmem:s11+$0xB130]  }
0xc6: {  	v1 =	vld [tilespmem:s11+$0xB140]  }
0xc7: {  	v0 =	vld [tilespmem:s11+$0xB150]  }
0xc8: {  	v6 =	vld [tilespmem:s11+$0x3100]  }
0xc9: {  	v11 =	vld [tilespmem:s11+$0x3110]  }
0xca: {  	v10 =	vld [tilespmem:s11+$0x3120]  }
0xcb: {  	v9 =	vld [tilespmem:s11+$0x3130]  }
0xcc: {  	v8 =	vld [tilespmem:s11+$0x3140]  }
0xcd: {  	v7 =	vld [tilespmem:s11+$0x3150];
	v12 =	vmul.f32 $1.131370830e+01, v6  }
0xce: {  	s12 =	simm.s32 $0x200;
	v11 =	vmul.f32 $1.131370830e+01, v11;
	v6 =	vld [tilespmem:s11+$0x3160]  }
.LBB2_8:
0xcf: {  	p0 =	sne.s32 s12, $0x9E00;
	v5 =	vadd.f32 v5, v12;
	v10 =	vmul.f32 $1.131370830e+01, v10;
	v12 =	vld [tilespmem:s11+$0x3170]  }
0xd0: {  	v4 =	vadd.f32 v4, v11;
	v9 =	vmul.f32 $1.131370830e+01, v9;
	v11 =	vld [tilespmem:s11+$0xB160]  }
0xd1: {  	s13 =	sshra.s32 s12, $0x2;
	[tilespmem:s11+$0x3100] =	vst v5;
	v3 =	vadd.f32 v3, v10;
	v8 =	vmul.f32 $1.131370830e+01, v8;
	v10 =	vld [tilespmem:s11+$0xB170]  }
0xd2: {  	v5 =	vld [tilespmem:s13+$0xB100];
	[tilespmem:s11+$0x3110] =	vst v4;
	v2 =	vadd.f32 v2, v9;
	v7 =	vmul.f32 $1.131370830e+01, v7  }
0xd3: {  	v4 =	vld [tilespmem:s13+$0xB110];
	[tilespmem:s11+$0x3120] =	vst v3;
	v1 =	vadd.f32 v1, v8;
	v6 =	vmul.f32 $1.131370830e+01, v6  }
0xd4: {  	v3 =	vld [tilespmem:s13+$0xB120];
	[tilespmem:s11+$0x3130] =	vst v2;
	v0 =	vadd.f32 v0, v7;
	v7 =	vmul.f32 $1.131370830e+01, v12  }
0xd5: {  	v2 =	vld [tilespmem:s13+$0xB130];
	[tilespmem:s11+$0x3140] =	vst v1;
	v6 =	vadd.f32 v11, v6  }
0xd6: {  	v1 =	vld [tilespmem:s13+$0xB140];
	[tilespmem:s11+$0x3150] =	vst v0;
	v7 =	vadd.f32 v10, v7  }
0xd7: {  	v0 =	vld [tilespmem:s13+$0xB150];
	[tilespmem:s11+$0x3160] =	vst v6  }
0xd8: {  	v6 =	vld [tilespmem:s13+$0x3100];
	[tilespmem:s11+$0x3170] =	vst v7;
	s11 =	smov.u32 s13  }
0xd9: {  	v11 =	vld [tilespmem:s11+$0x3110]  }
.Ltmp3:
0xda: {  	v10 =	vld [tilespmem:s11+$0x3120];
	(pc) =	sbr.rel @p0 .LBB2_8-.Ltmp3, $4  }
0xdb: {  	v9 =	vld [tilespmem:s11+$0x3130]  }
0xdc: {  	v8 =	vld [tilespmem:s11+$0x3140]  }
0xdd: {  	v12 =	vmul.f32 $1.131370830e+01, v6;
	v7 =	vld [tilespmem:s11+$0x3150]  }
0xde: {  	s12 =	sadd.s32 $0x200, s12;
	v11 =	vmul.f32 $1.131370830e+01, v11;
	v6 =	vld [tilespmem:s11+$0x3160]  }
0xdf: {  	v5 =	vadd.f32 v5, v12;
	v12 =	vld [tilespmem:s11+$0x3170];
	v10 =	vmul.f32 $1.131370830e+01, v10  }
0xe0: {  	v13 =	vld [tilespmem:s11+$0xB160];
	v4 =	vadd.f32 v4, v11;
	v9 =	vmul.f32 $1.131370830e+01, v9  }
0xe1: {  	[tilespmem:s11+$0x3100] =	vst v5;
	v3 =	vadd.f32 v3, v10;
	v5 =	vmul.f32 $1.131370830e+01, v8;
	v8 =	vld [tilespmem:s11+$0xB170]  }
0xe2: {  	[tilespmem:s11+$0x3110] =	vst v4;
	v2 =	vadd.f32 v2, v9;
	v4 =	vmul.f32 $1.131370830e+01, v7  }
0xe3: {  	[tilespmem:s11+$0x3120] =	vst v3;
	v1 =	vadd.f32 v1, v5;
	v3 =	vmul.f32 $1.131370830e+01, v6  }
0xe4: {  	[tilespmem:s11+$0x3130] =	vst v2;
	v0 =	vadd.f32 v0, v4;
	v2 =	vmul.f32 $1.131370830e+01, v12  }
0xe5: {  	[tilespmem:s11+$0x3140] =	vst v1;
	v1 =	vadd.f32 v13, v3  }
0xe6: {  	[tilespmem:s11+$0x3150] =	vst v0;
	v0 =	vadd.f32 v8, v2  }
0xe7: {  	[tilespmem:s11+$0x3160] =	vst v1  }
0xe8: {  	s13 =	simm.s32 $0x0;
	s12 =	rddreg [dreg:$0xd];
	[tilespmem:s11+$0x3170] =	vst v0  }
0xe9: {  	[hbm4b:s12+s13] =	stream.linear.scatter [tilespmem:s2], [sflag:$0x9], $0x2800, $0x38;
	[tilespmem:$0x10100] =	vst v63  }
0xea: {  	_ =	swait.ge [sflag:s31], $0x2800  }
0xeb: {  	[sflag:s31] =	ssyncset.done $0x0  }
0xec: {  	[sflag:s31] =	ssyncadd.s32 $0xFFFFD800  }
0xed: {  	_ =	swait.ge [sflag:s0], $0x2800  }
0xee: {  	[sflag:s0] =	ssyncset.done $0x0  }
0xef: {  	s11 =	simm.s32 $0x0;
	[sflag:s0] =	ssyncadd.s32 $0xFFFFD800  }
0xf0: {  	v5 =	vld [tilespmem:s11+$0xD900]  }
0xf1: {  	v4 =	vld [tilespmem:s11+$0xD910]  }
0xf2: {  	v3 =	vld [tilespmem:s11+$0xD920]  }
0xf3: {  	v2 =	vld [tilespmem:s11+$0xD930]  }
0xf4: {  	v1 =	vld [tilespmem:s11+$0xD940]  }
0xf5: {  	v0 =	vld [tilespmem:s11+$0xD950]  }
0xf6: {  	v6 =	vld [tilespmem:s11+$0x5900]  }
0xf7: {  	v11 =	vld [tilespmem:s11+$0x5910]  }
0xf8: {  	v10 =	vld [tilespmem:s11+$0x5920]  }
0xf9: {  	v9 =	vld [tilespmem:s11+$0x5930]  }
0xfa: {  	v8 =	vld [tilespmem:s11+$0x5940]  }
0xfb: {  	v7 =	vld [tilespmem:s11+$0x5950];
	v12 =	vmul.f32 $1.131370830e+01, v6  }
0xfc: {  	s12 =	simm.s32 $0x200;
	v11 =	vmul.f32 $1.131370830e+01, v11;
	v6 =	vld [tilespmem:s11+$0x5960]  }
.LBB2_10:
0xfd: {  	p0 =	sne.s32 s12, $0x9E00;
	v5 =	vadd.f32 v5, v12;
	v10 =	vmul.f32 $1.131370830e+01, v10;
	v12 =	vld [tilespmem:s11+$0x5970]  }
0xfe: {  	v4 =	vadd.f32 v4, v11;
	v9 =	vmul.f32 $1.131370830e+01, v9;
	v11 =	vld [tilespmem:s11+$0xD960]  }
0xff: {  	s13 =	sshra.s32 s12, $0x2;
	[tilespmem:s11+$0x5900] =	vst v5;
	v3 =	vadd.f32 v3, v10;
	v8 =	vmul.f32 $1.131370830e+01, v8;
	v10 =	vld [tilespmem:s11+$0xD970]  }
0x100: {  	v5 =	vld [tilespmem:s13+$0xD900];
	[tilespmem:s11+$0x5910] =	vst v4;
	v2 =	vadd.f32 v2, v9;
	v7 =	vmul.f32 $1.131370830e+01, v7  }
0x101: {  	v4 =	vld [tilespmem:s13+$0xD910];
	[tilespmem:s11+$0x5920] =	vst v3;
	v1 =	vadd.f32 v1, v8;
	v6 =	vmul.f32 $1.131370830e+01, v6  }
0x102: {  	v3 =	vld [tilespmem:s13+$0xD920];
	[tilespmem:s11+$0x5930] =	vst v2;
	v0 =	vadd.f32 v0, v7;
	v7 =	vmul.f32 $1.131370830e+01, v12  }
0x103: {  	v2 =	vld [tilespmem:s13+$0xD930];
	[tilespmem:s11+$0x5940] =	vst v1;
	v6 =	vadd.f32 v11, v6  }
0x104: {  	v1 =	vld [tilespmem:s13+$0xD940];
	[tilespmem:s11+$0x5950] =	vst v0;
	v7 =	vadd.f32 v10, v7  }
0x105: {  	v0 =	vld [tilespmem:s13+$0xD950];
	[tilespmem:s11+$0x5960] =	vst v6  }
0x106: {  	v6 =	vld [tilespmem:s13+$0x5900];
	[tilespmem:s11+$0x5970] =	vst v7;
	s11 =	smov.u32 s13  }
0x107: {  	v11 =	vld [tilespmem:s11+$0x5910]  }
.Ltmp4:
0x108: {  	v10 =	vld [tilespmem:s11+$0x5920];
	(pc) =	sbr.rel @p0 .LBB2_10-.Ltmp4, $4  }
0x109: {  	v9 =	vld [tilespmem:s11+$0x5930]  }
0x10a: {  	v8 =	vld [tilespmem:s11+$0x5940]  }
0x10b: {  	v12 =	vmul.f32 $1.131370830e+01, v6;
	v7 =	vld [tilespmem:s11+$0x5950]  }
0x10c: {  	s12 =	sadd.s32 $0x200, s12;
	v11 =	vmul.f32 $1.131370830e+01, v11;
	v6 =	vld [tilespmem:s11+$0x5960]  }
0x10d: {  	v5 =	vadd.f32 v5, v12;
	v56 =	vld [tilespmem:s11+$0x5970];
	v10 =	vmul.f32 $1.131370830e+01, v10  }
0x10e: {  	v13 =	vld [tilespmem:s11+$0xD960];
	v4 =	vadd.f32 v4, v11;
	v9 =	vmul.f32 $1.131370830e+01, v9  }
0x10f: {  	v58 =	vld [tilespmem:s11+$0xD970];
	[tilespmem:s11+$0x5900] =	vst v5;
	v3 =	vadd.f32 v3, v10;
	v57 =	vmul.f32 $1.131370830e+01, v8  }
0x110: {  	[tilespmem:s11+$0x5910] =	vst v4;
	v2 =	vadd.f32 v2, v9;
	v59 =	vmul.f32 $1.131370830e+01, v7  }
0x111: {  	[tilespmem:s11+$0x5920] =	vst v3;
	v1 =	vadd.f32 v1, v57;
	v60 =	vmul.f32 $1.131370830e+01, v6  }
0x112: {  	[tilespmem:s11+$0x5930] =	vst v2;
	v0 =	vadd.f32 v0, v59;
	v61 =	vmul.f32 $1.131370830e+01, v56  }
0x113: {  	[tilespmem:s11+$0x5940] =	vst v1;
	v62 =	vadd.f32 v13, v60  }
0x114: {  	[tilespmem:s11+$0x5950] =	vst v0;
	v63 =	vadd.f32 v58, v61  }
0x115: {  	[tilespmem:s11+$0x5960] =	vst v62  }
0x116: {  	[tilespmem:s11+$0x5970] =	vst v63  }
0x117: {  	[hbm4b:s14+s3] =	stream.linear.scatter [tilespmem:s16], [sflag:$0xA], $0x2800, $0x38;
	[tilespmem:$0x10100] =	vst v63  }
0x118: {  	_ =	swait.ge [sflag:s4], $0x800  }
0x119: {  	[sflag:s4] =	ssyncset.done $0x0  }
0x11a: {  	[sflag:s4] =	ssyncadd.s32 $0xFFFFF800  }
0x11b: {  	_ =	swait.ge [sflag:s5], $0x1000  }
0x11c: {  	[sflag:s5] =	ssyncset.done $0x0  }
0x11d: {  	[sflag:s5] =	ssyncadd.s32 $0xFFFFF000  }
0x11e: {  	_ =	swait.ge [sflag:s6], $0x1800  }
0x11f: {  	[sflag:s6] =	ssyncset.done $0x0  }
0x120: {  	s9 =	sadd.s32 $0x1, s9;
	[sflag:s6] =	ssyncadd.s32 $0xFFFFE800  }
0x121: {  	p0 =	sne.s32 s9, s15;
	_ =	swait.ge [sflag:s7], $0x2800  }
.Ltmp5:
0x122: {  	[sflag:s7] =	ssyncset.done $0x0;
	(pc) =	sbr.rel @p0 .LBB2_1-.Ltmp5, $4  }
0x123: {  	[sflag:s7] =	ssyncadd.s32 $0xFFFFD800  }
0x124: {  	_ =	swait.ge [sflag:s8], $0x2800  }
0x125: {  	[sflag:s8] =	ssyncset.done $0x0  }
0x126: {  	[sflag:s8] =	ssyncadd.s32 $0xFFFFD800  }
0x127: {  	_ =	sfence.sel $0x180000  }
0x128: {  	[bflag:$0x0] =	sbarrier.arrive $0xFFFF  }
0x129: {  	_ =	strace $0x90000047  }
0x12a: {  	s0 =	stileid.u32;
	[bflag:$0x2] =	sbarrier.arrive $0xFFFF  }
0x12b: {  	p0 =	sne.s32 s0, $0x0;
	s0 =	rddreg [dreg:$0x4]  }
0x12c: {  	s0 =	sadd.s32 @!p0 $0x100000, s0  }
0x12d: {  	[sflag:s0] =	ssyncadd.tile.s32 @!p0 $0x1;
	_ =	shalt  }
.Lfunc_end2:
_tile_overlayer_lowered:
.L_overlay_start_2:
0x12e: {  	(tag) =	ssettag $0x2  }
0x12f: {  	s0 =	rddreg [dreg:$0x0];
	s2 =	stileid.u32  }
0x130: {  	s1 =	rddreg [dreg:$0x1];
	p0 =	sne.s32 s2, $0x0  }
0x131: {  	s3 =	rddreg [dreg:$0x2];
	[bflag:$0x3] =	sbarrier.arrive $0xFFFF;
	s2 =	simm.s32 @!p0 $0x1C10  }
0x132: {  	[timem:s3], [sflag:s2] =	dma.local @!p0 [hbm:s0], s1  }
0x133: {  	s0 =	simm.s32 @!p0 $0x10  }
0x134: {  	_ =	swait.ge @!p0 [sflag:s0], s1  }
0x135: {  	s1 =	ssub.s32 @!p0 $0x0, s1;
	[sflag:s0] =	ssyncset.done @!p0 $0x0  }
0x136: {  	[sflag:s0] =	ssyncadd.s32 @!p0 s1  }
0x137: {  	[bflag:$0x3] =	sbarrier.arrive $0xFFFF  }
0x138: {  	_ =	shalt  }

</sc_bundles>
